<compile_context>
chip_gen: v7x
topology: tpu7x:2x2x1
jax: 0.10.2.dev20260603
libtpu: 0.0.44.dev20260713+nightly
codegen_flags: <defaults>
</compile_context>

<pallas_src>
import functools

import jax
import jax.numpy as jnp
from jax import lax
from jax.experimental import pallas as pl
from jax.experimental.pallas import tpu as pltpu
from jax.experimental.pallas import tpu_sc as plsc

DIM = 128
BATCH = 4096
HIST = 50
HPAD = 56
NCORES = 2
NSUB = 16
NW = NCORES * NSUB
BPW = BATCH // NW
NBUF = 8
LANES = 16

_SELU_ALPHA = 1.6732632423543772
_SELU_SCALE = 1.0507009873554805


def _sc_pool(idx_flat, table):
    mesh = plsc.VectorSubcoreMesh(
        core_axis_name="c", subcore_axis_name="s",
        num_cores=NCORES, num_subcores=NSUB,
    )

    @functools.partial(
        pl.kernel,
        out_type=jax.ShapeDtypeStruct((BATCH, DIM), jnp.float32),
        mesh=mesh,
        scratch_types=[
            pltpu.VMEM((BPW, HPAD), jnp.int32),
            pltpu.VMEM((BPW, DIM), jnp.float32),
            pltpu.VMEM((NBUF, HIST, DIM), jnp.float32),
            pltpu.SemaphoreType.DMA((NBUF,)),
        ],
    )
    def pool(idx_hbm, table_hbm, out_hbm, idx_v, outbuf, bufs, sems):
        wid = lax.axis_index("c") * NSUB + lax.axis_index("s")
        base = wid * BPW
        pltpu.sync_copy(idx_hbm.at[pl.ds(base, BPW), :], idx_v)

        def dma(row, slot):
            return pltpu.make_async_copy(
                table_hbm.at[idx_v.at[row, pl.ds(0, HIST)]],
                bufs.at[slot], sems.at[slot],
            )

        def start(row, carry):
            dma(row, lax.rem(row, NBUF)).start()
            return carry

        lax.fori_loop(0, NBUF, start, 0)

        def body(row, carry):
            slot = lax.rem(row, NBUF)
            dma(row, slot).wait()
            accs = tuple(bufs[slot, 0, pl.ds(d * LANES, LANES)] for d in range(8))

            def inner(h, a8):
                return tuple(
                    a + bufs[slot, h, pl.ds(d * LANES, LANES)]
                    for d, a in enumerate(a8)
                )

            accs = lax.fori_loop(1, HIST, inner, accs, unroll=7)
            for d in range(8):
                outbuf[row, pl.ds(d * LANES, LANES)] = accs[d]

            @pl.when(row + NBUF < BPW)
            def _():
                dma(row + NBUF, slot).start()

            return carry

        lax.fori_loop(0, BPW, body, 0)
        pltpu.sync_copy(outbuf, out_hbm.at[pl.ds(base, BPW)])

    return pool(idx_flat, table)


def _selu_linear(x, w, b2):

    def body(x_ref, w_ref, b_ref, o_ref):
        v = x_ref[...]
        v = _SELU_SCALE * jnp.where(v > 0, v, _SELU_ALPHA * (jnp.exp(v) - 1.0))
        o_ref[...] = (
            lax.dot_general(
                v, w_ref[...],
                dimension_numbers=(((1,), (1,)), ((), ())),
                preferred_element_type=jnp.float32,
            )
            + b_ref[...]
        )

    return pl.pallas_call(
        body,
        out_shape=jax.ShapeDtypeStruct((BATCH, DIM), jnp.float32),
    )(x, w, b2)


def kernel(input_text, table, W, b):
    idx = input_text.reshape(BATCH, HIST).astype(jnp.int32)
    idx = jnp.pad(idx, ((0, 0), (0, HPAD - HIST)))
    pooled = _sc_pool(idx, table)
    return _selu_linear(pooled, W, b.reshape(1, DIM))

# --- scband reference (transcript-rebuilt; emitter-appended) ---
"""Pipeline reference for scband-cbow-89069031784786 (READ-ONLY COPY).

The authoritative reference and input builder live on the scoring server;
editing this copy changes nothing except your own understanding.
"""

import jax, jax.numpy as jnp
import numpy as np

VOCAB = 100000
DIM = 128
BATCH = 4096
HIST = 50

def setup_inputs(seed: int = 0) -> dict:
    key = jax.random.key(seed)
    k1, k2, k3, k4 = jax.random.split(key, 4)
    input_text = jax.random.randint(k1, (BATCH, HIST), 0, VOCAB, dtype=jnp.int64 if jax.config.jax_enable_x64 else jnp.int32)
    table = jax.random.normal(k2, (VOCAB, DIM), dtype=jnp.float32)
    table = table.at[0].set(0.0)  # padding_idx=0 initialized to zeros in torch
    bound = 1.0 / np.sqrt(DIM)
    W = jax.random.uniform(k3, (DIM, DIM), dtype=jnp.float32, minval=-bound, maxval=bound)
    b = jax.random.uniform(k4, (DIM,), dtype=jnp.float32, minval=-bound, maxval=bound)
    return {"input_text": input_text, "table": table, "W": W, "b": b}

def reference(input_text, table, W, b):
    idx = input_text.reshape(input_text.shape[0], -1)
    x = jnp.take(table, idx, axis=0)        # [B, L, D] embedding lookup
    x = jnp.sum(x, axis=1)                  # [B, D] bag-of-words sum
    x = jax.nn.selu(x)
    x = x @ W.T + b                         # nn.Linear
    return x

if __name__ == "__main__":
    import jax
    _d = setup_inputs()
    print(jax.jit(kernel)(*tuple(_d.values())))

</pallas_src>

<mosaic_0001>
#map = affine_map<(d0, d1) -> (0, 0)>
module attributes {stable_mosaic.version = 14 : i64} {
  func.func @pool(%arg0: i32, %arg1: i32, %arg2: memref<4096x56xi32, #tpu.memory_space<hbm>>, %arg3: memref<100000x128xf32, #tpu.memory_space<hbm>>, %arg4: memref<4096x128xf32, #tpu.memory_space<hbm>>, %arg5: memref<128x56xi32, #tpu.memory_space<vmem>>, %arg6: memref<128x128xf32, #tpu.memory_space<vmem>>, %arg7: memref<8x50x128xf32, #tpu.memory_space<vmem>>, %arg8: memref<8x!tpu.dma_semaphore, #tpu.memory_space<semaphore_mem>>) attributes {dimension_semantics = [#tpu.dimension_semantics<core_parallel>, #tpu.dimension_semantics<subcore_parallel>], iteration_bounds = array<i64: 2, 16>, scalar_prefetch = 0 : i64, scratch_operands = 4 : i64, tpu.core_type = #tpu.core_type<sc_vector_subcore>, window_params = [{transform_indices = #map}, {transform_indices = #map}, {transform_indices = #map}]} {
    %mul3A = arith.constant 16 : i32
    %mul3A_0 = arith.muli %arg0, %mul3A : i32
    %add3A = arith.addi %mul3A_0, %arg1 : i32
    %mul3A_1 = arith.constant 128 : i32
    %mul3A_2 = arith.muli %add3A, %mul3A_1 : i32
    "tpu.region"() ({
      %run_scoped3A = tpu.sem_alloc : memref<!tpu.dma_semaphore, #tpu.memory_space<semaphore_mem>>
      %dma_start3A = arith.constant 0 : i32
      %dma_start3A_14 = tpu.memref_slice %arg2[%mul3A_2, %dma_start3A] : memref<4096x56xi32, #tpu.memory_space<hbm>> -> memref<128x56xi32, #tpu.memory_space<hbm>>
      %dma_start3A_15 = arith.constant 0 : i32
      %dma_start3A_16 = tpu.memref_slice %arg2[%mul3A_2, %dma_start3A_15] : memref<4096x56xi32, #tpu.memory_space<hbm>> -> memref<128x56xi32, #tpu.memory_space<hbm>>
      tpu.enqueue_dma source(%dma_start3A_16 : memref<128x56xi32, #tpu.memory_space<hbm>>) target(%arg5 : memref<128x56xi32, #tpu.memory_space<vmem>>) target_semaphore(%run_scoped3A : memref<!tpu.dma_semaphore, #tpu.memory_space<semaphore_mem>>)
      %dma_wait3A = arith.constant 0 : i32
      %dma_wait3A_17 = tpu.memref_slice %arg2[%mul3A_2, %dma_wait3A] : memref<4096x56xi32, #tpu.memory_space<hbm>> -> memref<128x56xi32, #tpu.memory_space<hbm>>
      %dma_wait3A_18 = arith.constant 0 : i32
      %dma_wait3A_19 = tpu.memref_slice %arg2[%mul3A_2, %dma_wait3A_18] : memref<4096x56xi32, #tpu.memory_space<hbm>> -> memref<128x56xi32, #tpu.memory_space<hbm>>
      tpu.wait_dma2 semaphore(%run_scoped3A : memref<!tpu.dma_semaphore, #tpu.memory_space<semaphore_mem>>) src(%dma_wait3A_19 : memref<128x56xi32, #tpu.memory_space<hbm>>) dst(%arg5 : memref<128x56xi32, #tpu.memory_space<vmem>>)
      tpu.yield
    }) : () -> ()
    %scan3A = arith.constant 0 : i32
    %scan3A_3 = arith.constant 0 : i32
    %scan3A_4 = arith.constant 8 : i32
    %scan3A_5 = arith.addi %scan3A_3, %scan3A_4 : i32
    %scan3A_6 = arith.constant 1 : i32
    scf.for %scan3A_14 = %scan3A_3 to %scan3A_5 step %scan3A_6  : i32 {
      %rem3A = arith.constant 8 : i32
      %rem3A_15 = arith.remsi %scan3A_14, %rem3A : i32
      %dma_start3A = arith.constant 0 : i32
      %dma_start3A_16 = arith.constant 0 : i32
      %dma_start3A_17 = tpu.memref_slice %arg7[%rem3A_15, %dma_start3A, %dma_start3A_16] : memref<8x50x128xf32, #tpu.memory_space<vmem>> -> memref<1x50x128xf32, #tpu.memory_space<vmem>>
      %dma_start3A_18 = tpu.memref_squeeze %dma_start3A_17 : memref<1x50x128xf32, #tpu.memory_space<vmem>> -> memref<50x128xf32, #tpu.memory_space<vmem>>
      %dma_start3A_19 = arith.constant 0 : i32
      %dma_start3A_20 = tpu.memref_slice %arg5[%scan3A_14, %dma_start3A_19] : memref<128x56xi32, #tpu.memory_space<vmem>> -> memref<1x50xi32, #tpu.memory_space<vmem>>
      %dma_start3A_21 = tpu.memref_squeeze %dma_start3A_20 : memref<1x50xi32, #tpu.memory_space<vmem>> -> memref<50xi32, #tpu.memory_space<vmem>>
      %dma_start3A_22 = arith.constant 0 : i32
      %dma_start3A_23 = arith.constant 0 : i32
      %dma_start3A_24 = tpu.memref_slice %arg3[%dma_start3A_22, %dma_start3A_23] : memref<100000x128xf32, #tpu.memory_space<hbm>> -> memref<100000x128xf32, #tpu.memory_space<hbm>>
      %dma_start3A_25 = tpu.memref_slice %arg8[%rem3A_15] : memref<8x!tpu.dma_semaphore, #tpu.memory_space<semaphore_mem>> -> memref<1x!tpu.dma_semaphore, #tpu.memory_space<semaphore_mem>>
      %dma_start3A_26 = tpu.memref_squeeze %dma_start3A_25 : memref<1x!tpu.dma_semaphore, #tpu.memory_space<semaphore_mem>> -> memref<!tpu.dma_semaphore, #tpu.memory_space<semaphore_mem>>
      tpu.enqueue_indirect_dma source(%dma_start3A_24 : memref<100000x128xf32, #tpu.memory_space<hbm>>) target(%dma_start3A_18 : memref<50x128xf32, #tpu.memory_space<vmem>>) offsets(%dma_start3A_21 : memref<50xi32, #tpu.memory_space<vmem>>) semaphore(%dma_start3A_26 : memref<!tpu.dma_semaphore, #tpu.memory_space<semaphore_mem>>)
    }
    %scan3A_7 = arith.constant 8 : i32
    %scan3A_8 = arith.constant 0 : i32
    %scan3A_9 = arith.constant 0 : i32
    %scan3A_10 = arith.constant 128 : i32
    %scan3A_11 = arith.addi %scan3A_9, %scan3A_10 : i32
    %scan3A_12 = arith.constant 1 : i32
    scf.for %scan3A_14 = %scan3A_9 to %scan3A_11 step %scan3A_12  : i32 {
      %rem3A = arith.constant 8 : i32
      %rem3A_15 = arith.remsi %scan3A_14, %rem3A : i32
      %dma_wait3A = arith.constant 0 : i32
      %dma_wait3A_16 = arith.constant 0 : i32
      %dma_wait3A_17 = tpu.memref_slice %arg7[%rem3A_15, %dma_wait3A, %dma_wait3A_16] : memref<8x50x128xf32, #tpu.memory_space<vmem>> -> memref<1x50x128xf32, #tpu.memory_space<vmem>>
      %dma_wait3A_18 = tpu.memref_squeeze %dma_wait3A_17 : memref<1x50x128xf32, #tpu.memory_space<vmem>> -> memref<50x128xf32, #tpu.memory_space<vmem>>
      %dma_wait3A_19 = arith.constant 0 : i32
      %dma_wait3A_20 = tpu.memref_slice %arg5[%scan3A_14, %dma_wait3A_19] : memref<128x56xi32, #tpu.memory_space<vmem>> -> memref<1x50xi32, #tpu.memory_space<vmem>>
      %dma_wait3A_21 = tpu.memref_squeeze %dma_wait3A_20 : memref<1x50xi32, #tpu.memory_space<vmem>> -> memref<50xi32, #tpu.memory_space<vmem>>
      %dma_wait3A_22 = arith.constant 0 : i32
      %dma_wait3A_23 = arith.constant 0 : i32
      %dma_wait3A_24 = tpu.memref_slice %arg3[%dma_wait3A_22, %dma_wait3A_23] : memref<100000x128xf32, #tpu.memory_space<hbm>> -> memref<100000x128xf32, #tpu.memory_space<hbm>>
      %dma_wait3A_25 = tpu.memref_slice %arg8[%rem3A_15] : memref<8x!tpu.dma_semaphore, #tpu.memory_space<semaphore_mem>> -> memref<1x!tpu.dma_semaphore, #tpu.memory_space<semaphore_mem>>
      %dma_wait3A_26 = tpu.memref_squeeze %dma_wait3A_25 : memref<1x!tpu.dma_semaphore, #tpu.memory_space<semaphore_mem>> -> memref<!tpu.dma_semaphore, #tpu.memory_space<semaphore_mem>>
      tpu.wait_indirect_dma semaphore(%dma_wait3A_26 : memref<!tpu.dma_semaphore, #tpu.memory_space<semaphore_mem>>) src(%dma_wait3A_24 : memref<100000x128xf32, #tpu.memory_space<hbm>>) dst(%dma_wait3A_18 : memref<50x128xf32, #tpu.memory_space<vmem>>)
      %get3A = arith.constant 0 : i32
      %get3A_27 = arith.index_cast %rem3A_15 : i32 to index
      %get3A_28 = arith.index_cast %get3A : i32 to index
      %get3A_29 = arith.constant 0 : index
      %get3A_30 = tpu.vector_load %arg7[%get3A_27, %get3A_28, %get3A_29] {strides = array<i32>} : memref<8x50x128xf32, #tpu.memory_space<vmem>>, vector<1x1x16xf32>,
      %get3A_31 = vector.shape_cast %get3A_30 : vector<1x1x16xf32> to vector<16xf32>
      %get3A_32 = arith.constant 0 : i32
      %get3A_33 = arith.index_cast %rem3A_15 : i32 to index
      %get3A_34 = arith.index_cast %get3A_32 : i32 to index
      %get3A_35 = arith.constant 16 : index
      %get3A_36 = tpu.vector_load %arg7[%get3A_33, %get3A_34, %get3A_35] {strides = array<i32>} : memref<8x50x128xf32, #tpu.memory_space<vmem>>, vector<1x1x16xf32>,
      %get3A_37 = vector.shape_cast %get3A_36 : vector<1x1x16xf32> to vector<16xf32>
      %get3A_38 = arith.constant 0 : i32
      %get3A_39 = arith.index_cast %rem3A_15 : i32 to index
      %get3A_40 = arith.index_cast %get3A_38 : i32 to index
      %get3A_41 = arith.constant 32 : index
      %get3A_42 = tpu.vector_load %arg7[%get3A_39, %get3A_40, %get3A_41] {strides = array<i32>} : memref<8x50x128xf32, #tpu.memory_space<vmem>>, vector<1x1x16xf32>,
      %get3A_43 = vector.shape_cast %get3A_42 : vector<1x1x16xf32> to vector<16xf32>
      %get3A_44 = arith.constant 0 : i32
      %get3A_45 = arith.index_cast %rem3A_15 : i32 to index
      %get3A_46 = arith.index_cast %get3A_44 : i32 to index
      %get3A_47 = arith.constant 48 : index
      %get3A_48 = tpu.vector_load %arg7[%get3A_45, %get3A_46, %get3A_47] {strides = array<i32>} : memref<8x50x128xf32, #tpu.memory_space<vmem>>, vector<1x1x16xf32>,
      %get3A_49 = vector.shape_cast %get3A_48 : vector<1x1x16xf32> to vector<16xf32>
      %get3A_50 = arith.constant 0 : i32
      %get3A_51 = arith.index_cast %rem3A_15 : i32 to index
      %get3A_52 = arith.index_cast %get3A_50 : i32 to index
      %get3A_53 = arith.constant 64 : index
      %get3A_54 = tpu.vector_load %arg7[%get3A_51, %get3A_52, %get3A_53] {strides = array<i32>} : memref<8x50x128xf32, #tpu.memory_space<vmem>>, vector<1x1x16xf32>,
      %get3A_55 = vector.shape_cast %get3A_54 : vector<1x1x16xf32> to vector<16xf32>
      %get3A_56 = arith.constant 0 : i32
      %get3A_57 = arith.index_cast %rem3A_15 : i32 to index
      %get3A_58 = arith.index_cast %get3A_56 : i32 to index
      %get3A_59 = arith.constant 80 : index
      %get3A_60 = tpu.vector_load %arg7[%get3A_57, %get3A_58, %get3A_59] {strides = array<i32>} : memref<8x50x128xf32, #tpu.memory_space<vmem>>, vector<1x1x16xf32>,
      %get3A_61 = vector.shape_cast %get3A_60 : vector<1x1x16xf32> to vector<16xf32>
      %get3A_62 = arith.constant 0 : i32
      %get3A_63 = arith.index_cast %rem3A_15 : i32 to index
      %get3A_64 = arith.index_cast %get3A_62 : i32 to index
      %get3A_65 = arith.constant 96 : index
      %get3A_66 = tpu.vector_load %arg7[%get3A_63, %get3A_64, %get3A_65] {strides = array<i32>} : memref<8x50x128xf32, #tpu.memory_space<vmem>>, vector<1x1x16xf32>,
      %get3A_67 = vector.shape_cast %get3A_66 : vector<1x1x16xf32> to vector<16xf32>
      %get3A_68 = arith.constant 0 : i32
      %get3A_69 = arith.index_cast %rem3A_15 : i32 to index
      %get3A_70 = arith.index_cast %get3A_68 : i32 to index
      %get3A_71 = arith.constant 112 : index
      %get3A_72 = tpu.vector_load %arg7[%get3A_69, %get3A_70, %get3A_71] {strides = array<i32>} : memref<8x50x128xf32, #tpu.memory_space<vmem>>, vector<1x1x16xf32>,
      %get3A_73 = vector.shape_cast %get3A_72 : vector<1x1x16xf32> to vector<16xf32>
      %scan3A_74 = arith.constant 1 : i32
      %scan3A_75 = arith.constant 49 : i32
      %scan3A_76 = arith.addi %scan3A_74, %scan3A_75 : i32
      %scan3A_77 = arith.constant 7 : i32
      %scan3A_78:8 = scf.for %scan3A_123 = %scan3A_74 to %scan3A_76 step %scan3A_77 iter_args(%scan3A_124 = %get3A_31, %scan3A_125 = %get3A_37, %scan3A_126 = %get3A_43, %scan3A_127 = %get3A_49, %scan3A_128 = %get3A_55, %scan3A_129 = %get3A_61, %scan3A_130 = %get3A_67, %scan3A_131 = %get3A_73) -> (vector<16xf32>, vector<16xf32>, vector<16xf32>, vector<16xf32>, vector<16xf32>, vector<16xf32>, vector<16xf32>, vector<16xf32>)  : i32 {
        %get3A_132 = arith.index_cast %rem3A_15 : i32 to index
        %get3A_133 = arith.index_cast %scan3A_123 : i32 to index
        %get3A_134 = arith.constant 0 : index
        %get3A_135 = tpu.vector_load %arg7[%get3A_132, %get3A_133, %get3A_134] {strides = array<i32>} : memref<8x50x128xf32, #tpu.memory_space<vmem>>, vector<1x1x16xf32>,
        %get3A_136 = vector.shape_cast %get3A_135 : vector<1x1x16xf32> to vector<16xf32>
        %add3A_137 = arith.addf %scan3A_124, %get3A_136 : vector<16xf32>
        %get3A_138 = arith.index_cast %rem3A_15 : i32 to index
        %get3A_139 = arith.index_cast %scan3A_123 : i32 to index
        %get3A_140 = arith.constant 16 : index
        %get3A_141 = tpu.vector_load %arg7[%get3A_138, %get3A_139, %get3A_140] {strides = array<i32>} : memref<8x50x128xf32, #tpu.memory_space<vmem>>, vector<1x1x16xf32>,
        %get3A_142 = vector.shape_cast %get3A_141 : vector<1x1x16xf32> to vector<16xf32>
        %add3A_143 = arith.addf %scan3A_125, %get3A_142 : vector<16xf32>
        %get3A_144 = arith.index_cast %rem3A_15 : i32 to index
        %get3A_145 = arith.index_cast %scan3A_123 : i32 to index
        %get3A_146 = arith.constant 32 : index
        %get3A_147 = tpu.vector_load %arg7[%get3A_144, %get3A_145, %get3A_146] {strides = array<i32>} : memref<8x50x128xf32, #tpu.memory_space<vmem>>, vector<1x1x16xf32>,
        %get3A_148 = vector.shape_cast %get3A_147 : vector<1x1x16xf32> to vector<16xf32>
        %add3A_149 = arith.addf %scan3A_126, %get3A_148 : vector<16xf32>
        %get3A_150 = arith.index_cast %rem3A_15 : i32 to index
        %get3A_151 = arith.index_cast %scan3A_123 : i32 to index
        %get3A_152 = arith.constant 48 : index
        %get3A_153 = tpu.vector_load %arg7[%get3A_150, %get3A_151, %get3A_152] {strides = array<i32>} : memref<8x50x128xf32, #tpu.memory_space<vmem>>, vector<1x1x16xf32>,
        %get3A_154 = vector.shape_cast %get3A_153 : vector<1x1x16xf32> to vector<16xf32>
        %add3A_155 = arith.addf %scan3A_127, %get3A_154 : vector<16xf32>
        %get3A_156 = arith.index_cast %rem3A_15 : i32 to index
        %get3A_157 = arith.index_cast %scan3A_123 : i32 to index
        %get3A_158 = arith.constant 64 : index
        %get3A_159 = tpu.vector_load %arg7[%get3A_156, %get3A_157, %get3A_158] {strides = array<i32>} : memref<8x50x128xf32, #tpu.memory_space<vmem>>, vector<1x1x16xf32>,
        %get3A_160 = vector.shape_cast %get3A_159 : vector<1x1x16xf32> to vector<16xf32>
        %add3A_161 = arith.addf %scan3A_128, %get3A_160 : vector<16xf32>
        %get3A_162 = arith.index_cast %rem3A_15 : i32 to index
        %get3A_163 = arith.index_cast %scan3A_123 : i32 to index
        %get3A_164 = arith.constant 80 : index
        %get3A_165 = tpu.vector_load %arg7[%get3A_162, %get3A_163, %get3A_164] {strides = array<i32>} : memref<8x50x128xf32, #tpu.memory_space<vmem>>, vector<1x1x16xf32>,
        %get3A_166 = vector.shape_cast %get3A_165 : vector<1x1x16xf32> to vector<16xf32>
        %add3A_167 = arith.addf %scan3A_129, %get3A_166 : vector<16xf32>
        %get3A_168 = arith.index_cast %rem3A_15 : i32 to index
        %get3A_169 = arith.index_cast %scan3A_123 : i32 to index
        %get3A_170 = arith.constant 96 : index
        %get3A_171 = tpu.vector_load %arg7[%get3A_168, %get3A_169, %get3A_170] {strides = array<i32>} : memref<8x50x128xf32, #tpu.memory_space<vmem>>, vector<1x1x16xf32>,
        %get3A_172 = vector.shape_cast %get3A_171 : vector<1x1x16xf32> to vector<16xf32>
        %add3A_173 = arith.addf %scan3A_130, %get3A_172 : vector<16xf32>
        %get3A_174 = arith.index_cast %rem3A_15 : i32 to index
        %get3A_175 = arith.index_cast %scan3A_123 : i32 to index
        %get3A_176 = arith.constant 112 : index
        %get3A_177 = tpu.vector_load %arg7[%get3A_174, %get3A_175, %get3A_176] {strides = array<i32>} : memref<8x50x128xf32, #tpu.memory_space<vmem>>, vector<1x1x16xf32>,
        %get3A_178 = vector.shape_cast %get3A_177 : vector<1x1x16xf32> to vector<16xf32>
        %add3A_179 = arith.addf %scan3A_131, %get3A_178 : vector<16xf32>
        %scan3A_180 = arith.constant 1 : i32
        %scan3A_181 = arith.addi %scan3A_123, %scan3A_180 : i32
        %get3A_182 = arith.index_cast %rem3A_15 : i32 to index
        %get3A_183 = arith.index_cast %scan3A_181 : i32 to index
        %get3A_184 = arith.constant 0 : index
        %get3A_185 = tpu.vector_load %arg7[%get3A_182, %get3A_183, %get3A_184] {strides = array<i32>} : memref<8x50x128xf32, #tpu.memory_space<vmem>>, vector<1x1x16xf32>,
        %get3A_186 = vector.shape_cast %get3A_185 : vector<1x1x16xf32> to vector<16xf32>
        %add3A_187 = arith.addf %add3A_137, %get3A_186 : vector<16xf32>
        %get3A_188 = arith.index_cast %rem3A_15 : i32 to index
        %get3A_189 = arith.index_cast %scan3A_181 : i32 to index
        %get3A_190 = arith.constant 16 : index
        %get3A_191 = tpu.vector_load %arg7[%get3A_188, %get3A_189, %get3A_190] {strides = array<i32>} : memref<8x50x128xf32, #tpu.memory_space<vmem>>, vector<1x1x16xf32>,
        %get3A_192 = vector.shape_cast %get3A_191 : vector<1x1x16xf32> to vector<16xf32>
        %add3A_193 = arith.addf %add3A_143, %get3A_192 : vector<16xf32>
        %get3A_194 = arith.index_cast %rem3A_15 : i32 to index
        %get3A_195 = arith.index_cast %scan3A_181 : i32 to index
        %get3A_196 = arith.constant 32 : index
        %get3A_197 = tpu.vector_load %arg7[%get3A_194, %get3A_195, %get3A_196] {strides = array<i32>} : memref<8x50x128xf32, #tpu.memory_space<vmem>>, vector<1x1x16xf32>,
        %get3A_198 = vector.shape_cast %get3A_197 : vector<1x1x16xf32> to vector<16xf32>
        %add3A_199 = arith.addf %add3A_149, %get3A_198 : vector<16xf32>
        %get3A_200 = arith.index_cast %rem3A_15 : i32 to index
        %get3A_201 = arith.index_cast %scan3A_181 : i32 to index
        %get3A_202 = arith.constant 48 : index
        %get3A_203 = tpu.vector_load %arg7[%get3A_200, %get3A_201, %get3A_202] {strides = array<i32>} : memref<8x50x128xf32, #tpu.memory_space<vmem>>, vector<1x1x16xf32>,
        %get3A_204 = vector.shape_cast %get3A_203 : vector<1x1x16xf32> to vector<16xf32>
        %add3A_205 = arith.addf %add3A_155, %get3A_204 : vector<16xf32>
        %get3A_206 = arith.index_cast %rem3A_15 : i32 to index
        %get3A_207 = arith.index_cast %scan3A_181 : i32 to index
        %get3A_208 = arith.constant 64 : index
        %get3A_209 = tpu.vector_load %arg7[%get3A_206, %get3A_207, %get3A_208] {strides = array<i32>} : memref<8x50x128xf32, #tpu.memory_space<vmem>>, vector<1x1x16xf32>,
        %get3A_210 = vector.shape_cast %get3A_209 : vector<1x1x16xf32> to vector<16xf32>
        %add3A_211 = arith.addf %add3A_161, %get3A_210 : vector<16xf32>
        %get3A_212 = arith.index_cast %rem3A_15 : i32 to index
        %get3A_213 = arith.index_cast %scan3A_181 : i32 to index
        %get3A_214 = arith.constant 80 : index
        %get3A_215 = tpu.vector_load %arg7[%get3A_212, %get3A_213, %get3A_214] {strides = array<i32>} : memref<8x50x128xf32, #tpu.memory_space<vmem>>, vector<1x1x16xf32>,
        %get3A_216 = vector.shape_cast %get3A_215 : vector<1x1x16xf32> to vector<16xf32>
        %add3A_217 = arith.addf %add3A_167, %get3A_216 : vector<16xf32>
        %get3A_218 = arith.index_cast %rem3A_15 : i32 to index
        %get3A_219 = arith.index_cast %scan3A_181 : i32 to index
        %get3A_220 = arith.constant 96 : index
        %get3A_221 = tpu.vector_load %arg7[%get3A_218, %get3A_219, %get3A_220] {strides = array<i32>} : memref<8x50x128xf32, #tpu.memory_space<vmem>>, vector<1x1x16xf32>,
        %get3A_222 = vector.shape_cast %get3A_221 : vector<1x1x16xf32> to vector<16xf32>
        %add3A_223 = arith.addf %add3A_173, %get3A_222 : vector<16xf32>
        %get3A_224 = arith.index_cast %rem3A_15 : i32 to index
        %get3A_225 = arith.index_cast %scan3A_181 : i32 to index
        %get3A_226 = arith.constant 112 : index
        %get3A_227 = tpu.vector_load %arg7[%get3A_224, %get3A_225, %get3A_226] {strides = array<i32>} : memref<8x50x128xf32, #tpu.memory_space<vmem>>, vector<1x1x16xf32>,
        %get3A_228 = vector.shape_cast %get3A_227 : vector<1x1x16xf32> to vector<16xf32>
        %add3A_229 = arith.addf %add3A_179, %get3A_228 : vector<16xf32>
        %scan3A_230 = arith.constant 2 : i32
        %scan3A_231 = arith.addi %scan3A_123, %scan3A_230 : i32
        %get3A_232 = arith.index_cast %rem3A_15 : i32 to index
        %get3A_233 = arith.index_cast %scan3A_231 : i32 to index
        %get3A_234 = arith.constant 0 : index
        %get3A_235 = tpu.vector_load %arg7[%get3A_232, %get3A_233, %get3A_234] {strides = array<i32>} : memref<8x50x128xf32, #tpu.memory_space<vmem>>, vector<1x1x16xf32>,
        %get3A_236 = vector.shape_cast %get3A_235 : vector<1x1x16xf32> to vector<16xf32>
        %add3A_237 = arith.addf %add3A_187, %get3A_236 : vector<16xf32>
        %get3A_238 = arith.index_cast %rem3A_15 : i32 to index
        %get3A_239 = arith.index_cast %scan3A_231 : i32 to index
        %get3A_240 = arith.constant 16 : index
        %get3A_241 = tpu.vector_load %arg7[%get3A_238, %get3A_239, %get3A_240] {strides = array<i32>} : memref<8x50x128xf32, #tpu.memory_space<vmem>>, vector<1x1x16xf32>,
        %get3A_242 = vector.shape_cast %get3A_241 : vector<1x1x16xf32> to vector<16xf32>
        %add3A_243 = arith.addf %add3A_193, %get3A_242 : vector<16xf32>
        %get3A_244 = arith.index_cast %rem3A_15 : i32 to index
        %get3A_245 = arith.index_cast %scan3A_231 : i32 to index
        %get3A_246 = arith.constant 32 : index
        %get3A_247 = tpu.vector_load %arg7[%get3A_244, %get3A_245, %get3A_246] {strides = array<i32>} : memref<8x50x128xf32, #tpu.memory_space<vmem>>, vector<1x1x16xf32>,
        %get3A_248 = vector.shape_cast %get3A_247 : vector<1x1x16xf32> to vector<16xf32>
        %add3A_249 = arith.addf %add3A_199, %get3A_248 : vector<16xf32>
        %get3A_250 = arith.index_cast %rem3A_15 : i32 to index
        %get3A_251 = arith.index_cast %scan3A_231 : i32 to index
        %get3A_252 = arith.constant 48 : index
        %get3A_253 = tpu.vector_load %arg7[%get3A_250, %get3A_251, %get3A_252] {strides = array<i32>} : memref<8x50x128xf32, #tpu.memory_space<vmem>>, vector<1x1x16xf32>,
        %get3A_254 = vector.shape_cast %get3A_253 : vector<1x1x16xf32> to vector<16xf32>
        %add3A_255 = arith.addf %add3A_205, %get3A_254 : vector<16xf32>
        %get3A_256 = arith.index_cast %rem3A_15 : i32 to index
        %get3A_257 = arith.index_cast %scan3A_231 : i32 to index
        %get3A_258 = arith.constant 64 : index
        %get3A_259 = tpu.vector_load %arg7[%get3A_256, %get3A_257, %get3A_258] {strides = array<i32>} : memref<8x50x128xf32, #tpu.memory_space<vmem>>, vector<1x1x16xf32>,
        %get3A_260 = vector.shape_cast %get3A_259 : vector<1x1x16xf32> to vector<16xf32>
        %add3A_261 = arith.addf %add3A_211, %get3A_260 : vector<16xf32>
        %get3A_262 = arith.index_cast %rem3A_15 : i32 to index
        %get3A_263 = arith.index_cast %scan3A_231 : i32 to index
        %get3A_264 = arith.constant 80 : index
        %get3A_265 = tpu.vector_load %arg7[%get3A_262, %get3A_263, %get3A_264] {strides = array<i32>} : memref<8x50x128xf32, #tpu.memory_space<vmem>>, vector<1x1x16xf32>,
        %get3A_266 = vector.shape_cast %get3A_265 : vector<1x1x16xf32> to vector<16xf32>
        %add3A_267 = arith.addf %add3A_217, %get3A_266 : vector<16xf32>
        %get3A_268 = arith.index_cast %rem3A_15 : i32 to index
        %get3A_269 = arith.index_cast %scan3A_231 : i32 to index
        %get3A_270 = arith.constant 96 : index
        %get3A_271 = tpu.vector_load %arg7[%get3A_268, %get3A_269, %get3A_270] {strides = array<i32>} : memref<8x50x128xf32, #tpu.memory_space<vmem>>, vector<1x1x16xf32>,
        %get3A_272 = vector.shape_cast %get3A_271 : vector<1x1x16xf32> to vector<16xf32>
        %add3A_273 = arith.addf %add3A_223, %get3A_272 : vector<16xf32>
        %get3A_274 = arith.index_cast %rem3A_15 : i32 to index
        %get3A_275 = arith.index_cast %scan3A_231 : i32 to index
        %get3A_276 = arith.constant 112 : index
        %get3A_277 = tpu.vector_load %arg7[%get3A_274, %get3A_275, %get3A_276] {strides = array<i32>} : memref<8x50x128xf32, #tpu.memory_space<vmem>>, vector<1x1x16xf32>,
        %get3A_278 = vector.shape_cast %get3A_277 : vector<1x1x16xf32> to vector<16xf32>
        %add3A_279 = arith.addf %add3A_229, %get3A_278 : vector<16xf32>
        %scan3A_280 = arith.constant 3 : i32
        %scan3A_281 = arith.addi %scan3A_123, %scan3A_280 : i32
        %get3A_282 = arith.index_cast %rem3A_15 : i32 to index
        %get3A_283 = arith.index_cast %scan3A_281 : i32 to index
        %get3A_284 = arith.constant 0 : index
        %get3A_285 = tpu.vector_load %arg7[%get3A_282, %get3A_283, %get3A_284] {strides = array<i32>} : memref<8x50x128xf32, #tpu.memory_space<vmem>>, vector<1x1x16xf32>,
        %get3A_286 = vector.shape_cast %get3A_285 : vector<1x1x16xf32> to vector<16xf32>
        %add3A_287 = arith.addf %add3A_237, %get3A_286 : vector<16xf32>
        %get3A_288 = arith.index_cast %rem3A_15 : i32 to index
        %get3A_289 = arith.index_cast %scan3A_281 : i32 to index
        %get3A_290 = arith.constant 16 : index
        %get3A_291 = tpu.vector_load %arg7[%get3A_288, %get3A_289, %get3A_290] {strides = array<i32>} : memref<8x50x128xf32, #tpu.memory_space<vmem>>, vector<1x1x16xf32>,
        %get3A_292 = vector.shape_cast %get3A_291 : vector<1x1x16xf32> to vector<16xf32>
        %add3A_293 = arith.addf %add3A_243, %get3A_292 : vector<16xf32>
        %get3A_294 = arith.index_cast %rem3A_15 : i32 to index
        %get3A_295 = arith.index_cast %scan3A_281 : i32 to index
        %get3A_296 = arith.constant 32 : index
        %get3A_297 = tpu.vector_load %arg7[%get3A_294, %get3A_295, %get3A_296] {strides = array<i32>} : memref<8x50x128xf32, #tpu.memory_space<vmem>>, vector<1x1x16xf32>,
        %get3A_298 = vector.shape_cast %get3A_297 : vector<1x1x16xf32> to vector<16xf32>
        %add3A_299 = arith.addf %add3A_249, %get3A_298 : vector<16xf32>
        %get3A_300 = arith.index_cast %rem3A_15 : i32 to index
        %get3A_301 = arith.index_cast %scan3A_281 : i32 to index
        %get3A_302 = arith.constant 48 : index
        %get3A_303 = tpu.vector_load %arg7[%get3A_300, %get3A_301, %get3A_302] {strides = array<i32>} : memref<8x50x128xf32, #tpu.memory_space<vmem>>, vector<1x1x16xf32>,
        %get3A_304 = vector.shape_cast %get3A_303 : vector<1x1x16xf32> to vector<16xf32>
        %add3A_305 = arith.addf %add3A_255, %get3A_304 : vector<16xf32>
        %get3A_306 = arith.index_cast %rem3A_15 : i32 to index
        %get3A_307 = arith.index_cast %scan3A_281 : i32 to index
        %get3A_308 = arith.constant 64 : index
        %get3A_309 = tpu.vector_load %arg7[%get3A_306, %get3A_307, %get3A_308] {strides = array<i32>} : memref<8x50x128xf32, #tpu.memory_space<vmem>>, vector<1x1x16xf32>,
        %get3A_310 = vector.shape_cast %get3A_309 : vector<1x1x16xf32> to vector<16xf32>
        %add3A_311 = arith.addf %add3A_261, %get3A_310 : vector<16xf32>
        %get3A_312 = arith.index_cast %rem3A_15 : i32 to index
        %get3A_313 = arith.index_cast %scan3A_281 : i32 to index
        %get3A_314 = arith.constant 80 : index
        %get3A_315 = tpu.vector_load %arg7[%get3A_312, %get3A_313, %get3A_314] {strides = array<i32>} : memref<8x50x128xf32, #tpu.memory_space<vmem>>, vector<1x1x16xf32>,
        %get3A_316 = vector.shape_cast %get3A_315 : vector<1x1x16xf32> to vector<16xf32>
        %add3A_317 = arith.addf %add3A_267, %get3A_316 : vector<16xf32>
        %get3A_318 = arith.index_cast %rem3A_15 : i32 to index
        %get3A_319 = arith.index_cast %scan3A_281 : i32 to index
        %get3A_320 = arith.constant 96 : index
        %get3A_321 = tpu.vector_load %arg7[%get3A_318, %get3A_319, %get3A_320] {strides = array<i32>} : memref<8x50x128xf32, #tpu.memory_space<vmem>>, vector<1x1x16xf32>,
        %get3A_322 = vector.shape_cast %get3A_321 : vector<1x1x16xf32> to vector<16xf32>
        %add3A_323 = arith.addf %add3A_273, %get3A_322 : vector<16xf32>
        %get3A_324 = arith.index_cast %rem3A_15 : i32 to index
        %get3A_325 = arith.index_cast %scan3A_281 : i32 to index
        %get3A_326 = arith.constant 112 : index
        %get3A_327 = tpu.vector_load %arg7[%get3A_324, %get3A_325, %get3A_326] {strides = array<i32>} : memref<8x50x128xf32, #tpu.memory_space<vmem>>, vector<1x1x16xf32>,
        %get3A_328 = vector.shape_cast %get3A_327 : vector<1x1x16xf32> to vector<16xf32>
        %add3A_329 = arith.addf %add3A_279, %get3A_328 : vector<16xf32>
        %scan3A_330 = arith.constant 4 : i32
        %scan3A_331 = arith.addi %scan3A_123, %scan3A_330 : i32
        %get3A_332 = arith.index_cast %rem3A_15 : i32 to index
        %get3A_333 = arith.index_cast %scan3A_331 : i32 to index
        %get3A_334 = arith.constant 0 : index
        %get3A_335 = tpu.vector_load %arg7[%get3A_332, %get3A_333, %get3A_334] {strides = array<i32>} : memref<8x50x128xf32, #tpu.memory_space<vmem>>, vector<1x1x16xf32>,
        %get3A_336 = vector.shape_cast %get3A_335 : vector<1x1x16xf32> to vector<16xf32>
        %add3A_337 = arith.addf %add3A_287, %get3A_336 : vector<16xf32>
        %get3A_338 = arith.index_cast %rem3A_15 : i32 to index
        %get3A_339 = arith.index_cast %scan3A_331 : i32 to index
        %get3A_340 = arith.constant 16 : index
        %get3A_341 = tpu.vector_load %arg7[%get3A_338, %get3A_339, %get3A_340] {strides = array<i32>} : memref<8x50x128xf32, #tpu.memory_space<vmem>>, vector<1x1x16xf32>,
        %get3A_342 = vector.shape_cast %get3A_341 : vector<1x1x16xf32> to vector<16xf32>
        %add3A_343 = arith.addf %add3A_293, %get3A_342 : vector<16xf32>
        %get3A_344 = arith.index_cast %rem3A_15 : i32 to index
        %get3A_345 = arith.index_cast %scan3A_331 : i32 to index
        %get3A_346 = arith.constant 32 : index
        %get3A_347 = tpu.vector_load %arg7[%get3A_344, %get3A_345, %get3A_346] {strides = array<i32>} : memref<8x50x128xf32, #tpu.memory_space<vmem>>, vector<1x1x16xf32>,
        %get3A_348 = vector.shape_cast %get3A_347 : vector<1x1x16xf32> to vector<16xf32>
        %add3A_349 = arith.addf %add3A_299, %get3A_348 : vector<16xf32>
        %get3A_350 = arith.index_cast %rem3A_15 : i32 to index
        %get3A_351 = arith.index_cast %scan3A_331 : i32 to index
        %get3A_352 = arith.constant 48 : index
        %get3A_353 = tpu.vector_load %arg7[%get3A_350, %get3A_351, %get3A_352] {strides = array<i32>} : memref<8x50x128xf32, #tpu.memory_space<vmem>>, vector<1x1x16xf32>,
        %get3A_354 = vector.shape_cast %get3A_353 : vector<1x1x16xf32> to vector<16xf32>
        %add3A_355 = arith.addf %add3A_305, %get3A_354 : vector<16xf32>
        %get3A_356 = arith.index_cast %rem3A_15 : i32 to index
        %get3A_357 = arith.index_cast %scan3A_331 : i32 to index
        %get3A_358 = arith.constant 64 : index
        %get3A_359 = tpu.vector_load %arg7[%get3A_356, %get3A_357, %get3A_358] {strides = array<i32>} : memref<8x50x128xf32, #tpu.memory_space<vmem>>, vector<1x1x16xf32>,
        %get3A_360 = vector.shape_cast %get3A_359 : vector<1x1x16xf32> to vector<16xf32>
        %add3A_361 = arith.addf %add3A_311, %get3A_360 : vector<16xf32>
        %get3A_362 = arith.index_cast %rem3A_15 : i32 to index
        %get3A_363 = arith.index_cast %scan3A_331 : i32 to index
        %get3A_364 = arith.constant 80 : index
        %get3A_365 = tpu.vector_load %arg7[%get3A_362, %get3A_363, %get3A_364] {strides = array<i32>} : memref<8x50x128xf32, #tpu.memory_space<vmem>>, vector<1x1x16xf32>,
        %get3A_366 = vector.shape_cast %get3A_365 : vector<1x1x16xf32> to vector<16xf32>
        %add3A_367 = arith.addf %add3A_317, %get3A_366 : vector<16xf32>
        %get3A_368 = arith.index_cast %rem3A_15 : i32 to index
        %get3A_369 = arith.index_cast %scan3A_331 : i32 to index
        %get3A_370 = arith.constant 96 : index
        %get3A_371 = tpu.vector_load %arg7[%get3A_368, %get3A_369, %get3A_370] {strides = array<i32>} : memref<8x50x128xf32, #tpu.memory_space<vmem>>, vector<1x1x16xf32>,
        %get3A_372 = vector.shape_cast %get3A_371 : vector<1x1x16xf32> to vector<16xf32>
        %add3A_373 = arith.addf %add3A_323, %get3A_372 : vector<16xf32>
        %get3A_374 = arith.index_cast %rem3A_15 : i32 to index
        %get3A_375 = arith.index_cast %scan3A_331 : i32 to index
        %get3A_376 = arith.constant 112 : index
        %get3A_377 = tpu.vector_load %arg7[%get3A_374, %get3A_375, %get3A_376] {strides = array<i32>} : memref<8x50x128xf32, #tpu.memory_space<vmem>>, vector<1x1x16xf32>,
        %get3A_378 = vector.shape_cast %get3A_377 : vector<1x1x16xf32> to vector<16xf32>
        %add3A_379 = arith.addf %add3A_329, %get3A_378 : vector<16xf32>
        %scan3A_380 = arith.constant 5 : i32
        %scan3A_381 = arith.addi %scan3A_123, %scan3A_380 : i32
        %get3A_382 = arith.index_cast %rem3A_15 : i32 to index
        %get3A_383 = arith.index_cast %scan3A_381 : i32 to index
        %get3A_384 = arith.constant 0 : index
        %get3A_385 = tpu.vector_load %arg7[%get3A_382, %get3A_383, %get3A_384] {strides = array<i32>} : memref<8x50x128xf32, #tpu.memory_space<vmem>>, vector<1x1x16xf32>,
        %get3A_386 = vector.shape_cast %get3A_385 : vector<1x1x16xf32> to vector<16xf32>
        %add3A_387 = arith.addf %add3A_337, %get3A_386 : vector<16xf32>
        %get3A_388 = arith.index_cast %rem3A_15 : i32 to index
        %get3A_389 = arith.index_cast %scan3A_381 : i32 to index
        %get3A_390 = arith.constant 16 : index
        %get3A_391 = tpu.vector_load %arg7[%get3A_388, %get3A_389, %get3A_390] {strides = array<i32>} : memref<8x50x128xf32, #tpu.memory_space<vmem>>, vector<1x1x16xf32>,
        %get3A_392 = vector.shape_cast %get3A_391 : vector<1x1x16xf32> to vector<16xf32>
        %add3A_393 = arith.addf %add3A_343, %get3A_392 : vector<16xf32>
        %get3A_394 = arith.index_cast %rem3A_15 : i32 to index
        %get3A_395 = arith.index_cast %scan3A_381 : i32 to index
        %get3A_396 = arith.constant 32 : index
        %get3A_397 = tpu.vector_load %arg7[%get3A_394, %get3A_395, %get3A_396] {strides = array<i32>} : memref<8x50x128xf32, #tpu.memory_space<vmem>>, vector<1x1x16xf32>,
        %get3A_398 = vector.shape_cast %get3A_397 : vector<1x1x16xf32> to vector<16xf32>
        %add3A_399 = arith.addf %add3A_349, %get3A_398 : vector<16xf32>
        %get3A_400 = arith.index_cast %rem3A_15 : i32 to index
        %get3A_401 = arith.index_cast %scan3A_381 : i32 to index
        %get3A_402 = arith.constant 48 : index
        %get3A_403 = tpu.vector_load %arg7[%get3A_400, %get3A_401, %get3A_402] {strides = array<i32>} : memref<8x50x128xf32, #tpu.memory_space<vmem>>, vector<1x1x16xf32>,
        %get3A_404 = vector.shape_cast %get3A_403 : vector<1x1x16xf32> to vector<16xf32>
        %add3A_405 = arith.addf %add3A_355, %get3A_404 : vector<16xf32>
        %get3A_406 = arith.index_cast %rem3A_15 : i32 to index
        %get3A_407 = arith.index_cast %scan3A_381 : i32 to index
        %get3A_408 = arith.constant 64 : index
        %get3A_409 = tpu.vector_load %arg7[%get3A_406, %get3A_407, %get3A_408] {strides = array<i32>} : memref<8x50x128xf32, #tpu.memory_space<vmem>>, vector<1x1x16xf32>,
        %get3A_410 = vector.shape_cast %get3A_409 : vector<1x1x16xf32> to vector<16xf32>
        %add3A_411 = arith.addf %add3A_361, %get3A_410 : vector<16xf32>
        %get3A_412 = arith.index_cast %rem3A_15 : i32 to index
        %get3A_413 = arith.index_cast %scan3A_381 : i32 to index
        %get3A_414 = arith.constant 80 : index
        %get3A_415 = tpu.vector_load %arg7[%get3A_412, %get3A_413, %get3A_414] {strides = array<i32>} : memref<8x50x128xf32, #tpu.memory_space<vmem>>, vector<1x1x16xf32>,
        %get3A_416 = vector.shape_cast %get3A_415 : vector<1x1x16xf32> to vector<16xf32>
        %add3A_417 = arith.addf %add3A_367, %get3A_416 : vector<16xf32>
        %get3A_418 = arith.index_cast %rem3A_15 : i32 to index
        %get3A_419 = arith.index_cast %scan3A_381 : i32 to index
        %get3A_420 = arith.constant 96 : index
        %get3A_421 = tpu.vector_load %arg7[%get3A_418, %get3A_419, %get3A_420] {strides = array<i32>} : memref<8x50x128xf32, #tpu.memory_space<vmem>>, vector<1x1x16xf32>,
        %get3A_422 = vector.shape_cast %get3A_421 : vector<1x1x16xf32> to vector<16xf32>
        %add3A_423 = arith.addf %add3A_373, %get3A_422 : vector<16xf32>
        %get3A_424 = arith.index_cast %rem3A_15 : i32 to index
        %get3A_425 = arith.index_cast %scan3A_381 : i32 to index
        %get3A_426 = arith.constant 112 : index
        %get3A_427 = tpu.vector_load %arg7[%get3A_424, %get3A_425, %get3A_426] {strides = array<i32>} : memref<8x50x128xf32, #tpu.memory_space<vmem>>, vector<1x1x16xf32>,
        %get3A_428 = vector.shape_cast %get3A_427 : vector<1x1x16xf32> to vector<16xf32>
        %add3A_429 = arith.addf %add3A_379, %get3A_428 : vector<16xf32>
        %scan3A_430 = arith.constant 6 : i32
        %scan3A_431 = arith.addi %scan3A_123, %scan3A_430 : i32
        %get3A_432 = arith.index_cast %rem3A_15 : i32 to index
        %get3A_433 = arith.index_cast %scan3A_431 : i32 to index
        %get3A_434 = arith.constant 0 : index
        %get3A_435 = tpu.vector_load %arg7[%get3A_432, %get3A_433, %get3A_434] {strides = array<i32>} : memref<8x50x128xf32, #tpu.memory_space<vmem>>, vector<1x1x16xf32>,
        %get3A_436 = vector.shape_cast %get3A_435 : vector<1x1x16xf32> to vector<16xf32>
        %add3A_437 = arith.addf %add3A_387, %get3A_436 : vector<16xf32>
        %get3A_438 = arith.index_cast %rem3A_15 : i32 to index
        %get3A_439 = arith.index_cast %scan3A_431 : i32 to index
        %get3A_440 = arith.constant 16 : index
        %get3A_441 = tpu.vector_load %arg7[%get3A_438, %get3A_439, %get3A_440] {strides = array<i32>} : memref<8x50x128xf32, #tpu.memory_space<vmem>>, vector<1x1x16xf32>,
        %get3A_442 = vector.shape_cast %get3A_441 : vector<1x1x16xf32> to vector<16xf32>
        %add3A_443 = arith.addf %add3A_393, %get3A_442 : vector<16xf32>
        %get3A_444 = arith.index_cast %rem3A_15 : i32 to index
        %get3A_445 = arith.index_cast %scan3A_431 : i32 to index
        %get3A_446 = arith.constant 32 : index
        %get3A_447 = tpu.vector_load %arg7[%get3A_444, %get3A_445, %get3A_446] {strides = array<i32>} : memref<8x50x128xf32, #tpu.memory_space<vmem>>, vector<1x1x16xf32>,
        %get3A_448 = vector.shape_cast %get3A_447 : vector<1x1x16xf32> to vector<16xf32>
        %add3A_449 = arith.addf %add3A_399, %get3A_448 : vector<16xf32>
        %get3A_450 = arith.index_cast %rem3A_15 : i32 to index
        %get3A_451 = arith.index_cast %scan3A_431 : i32 to index
        %get3A_452 = arith.constant 48 : index
        %get3A_453 = tpu.vector_load %arg7[%get3A_450, %get3A_451, %get3A_452] {strides = array<i32>} : memref<8x50x128xf32, #tpu.memory_space<vmem>>, vector<1x1x16xf32>,
        %get3A_454 = vector.shape_cast %get3A_453 : vector<1x1x16xf32> to vector<16xf32>
        %add3A_455 = arith.addf %add3A_405, %get3A_454 : vector<16xf32>
        %get3A_456 = arith.index_cast %rem3A_15 : i32 to index
        %get3A_457 = arith.index_cast %scan3A_431 : i32 to index
        %get3A_458 = arith.constant 64 : index
        %get3A_459 = tpu.vector_load %arg7[%get3A_456, %get3A_457, %get3A_458] {strides = array<i32>} : memref<8x50x128xf32, #tpu.memory_space<vmem>>, vector<1x1x16xf32>,
        %get3A_460 = vector.shape_cast %get3A_459 : vector<1x1x16xf32> to vector<16xf32>
        %add3A_461 = arith.addf %add3A_411, %get3A_460 : vector<16xf32>
        %get3A_462 = arith.index_cast %rem3A_15 : i32 to index
        %get3A_463 = arith.index_cast %scan3A_431 : i32 to index
        %get3A_464 = arith.constant 80 : index
        %get3A_465 = tpu.vector_load %arg7[%get3A_462, %get3A_463, %get3A_464] {strides = array<i32>} : memref<8x50x128xf32, #tpu.memory_space<vmem>>, vector<1x1x16xf32>,
        %get3A_466 = vector.shape_cast %get3A_465 : vector<1x1x16xf32> to vector<16xf32>
        %add3A_467 = arith.addf %add3A_417, %get3A_466 : vector<16xf32>
        %get3A_468 = arith.index_cast %rem3A_15 : i32 to index
        %get3A_469 = arith.index_cast %scan3A_431 : i32 to index
        %get3A_470 = arith.constant 96 : index
        %get3A_471 = tpu.vector_load %arg7[%get3A_468, %get3A_469, %get3A_470] {strides = array<i32>} : memref<8x50x128xf32, #tpu.memory_space<vmem>>, vector<1x1x16xf32>,
        %get3A_472 = vector.shape_cast %get3A_471 : vector<1x1x16xf32> to vector<16xf32>
        %add3A_473 = arith.addf %add3A_423, %get3A_472 : vector<16xf32>
        %get3A_474 = arith.index_cast %rem3A_15 : i32 to index
        %get3A_475 = arith.index_cast %scan3A_431 : i32 to index
        %get3A_476 = arith.constant 112 : index
        %get3A_477 = tpu.vector_load %arg7[%get3A_474, %get3A_475, %get3A_476] {strides = array<i32>} : memref<8x50x128xf32, #tpu.memory_space<vmem>>, vector<1x1x16xf32>,
        %get3A_478 = vector.shape_cast %get3A_477 : vector<1x1x16xf32> to vector<16xf32>
        %add3A_479 = arith.addf %add3A_429, %get3A_478 : vector<16xf32>
        scf.yield %add3A_437, %add3A_443, %add3A_449, %add3A_455, %add3A_461, %add3A_467, %add3A_473, %add3A_479 : vector<16xf32>, vector<16xf32>, vector<16xf32>, vector<16xf32>, vector<16xf32>, vector<16xf32>, vector<16xf32>, vector<16xf32>
      }
      %scan3A_79 = arith.constant 49 : i32
      %swap3A = arith.index_cast %scan3A_14 : i32 to index
      %swap3A_80 = arith.constant 0 : index
      %swap3A_81 = tpu.vector_load %arg6[%swap3A, %swap3A_80] {strides = array<i32>} : memref<128x128xf32, #tpu.memory_space<vmem>>, vector<1x16xf32>,
      %swap3A_82 = vector.shape_cast %swap3A_81 : vector<1x16xf32> to vector<16xf32>
      %swap3A_83 = vector.shape_cast %scan3A_78#0 : vector<16xf32> to vector<1x16xf32>
      tpu.vector_store %arg6[%swap3A, %swap3A_80], %swap3A_83 {strides = array<i32>} : memref<128x128xf32, #tpu.memory_space<vmem>>, vector<1x16xf32>,
      %swap3A_84 = arith.index_cast %scan3A_14 : i32 to index
      %swap3A_85 = arith.constant 16 : index
      %swap3A_86 = tpu.vector_load %arg6[%swap3A_84, %swap3A_85] {strides = array<i32>} : memref<128x128xf32, #tpu.memory_space<vmem>>, vector<1x16xf32>,
      %swap3A_87 = vector.shape_cast %swap3A_86 : vector<1x16xf32> to vector<16xf32>
      %swap3A_88 = vector.shape_cast %scan3A_78#1 : vector<16xf32> to vector<1x16xf32>
      tpu.vector_store %arg6[%swap3A_84, %swap3A_85], %swap3A_88 {strides = array<i32>} : memref<128x128xf32, #tpu.memory_space<vmem>>, vector<1x16xf32>,
      %swap3A_89 = arith.index_cast %scan3A_14 : i32 to index
      %swap3A_90 = arith.constant 32 : index
      %swap3A_91 = tpu.vector_load %arg6[%swap3A_89, %swap3A_90] {strides = array<i32>} : memref<128x128xf32, #tpu.memory_space<vmem>>, vector<1x16xf32>,
      %swap3A_92 = vector.shape_cast %swap3A_91 : vector<1x16xf32> to vector<16xf32>
      %swap3A_93 = vector.shape_cast %scan3A_78#2 : vector<16xf32> to vector<1x16xf32>
      tpu.vector_store %arg6[%swap3A_89, %swap3A_90], %swap3A_93 {strides = array<i32>} : memref<128x128xf32, #tpu.memory_space<vmem>>, vector<1x16xf32>,
      %swap3A_94 = arith.index_cast %scan3A_14 : i32 to index
      %swap3A_95 = arith.constant 48 : index
      %swap3A_96 = tpu.vector_load %arg6[%swap3A_94, %swap3A_95] {strides = array<i32>} : memref<128x128xf32, #tpu.memory_space<vmem>>, vector<1x16xf32>,
      %swap3A_97 = vector.shape_cast %swap3A_96 : vector<1x16xf32> to vector<16xf32>
      %swap3A_98 = vector.shape_cast %scan3A_78#3 : vector<16xf32> to vector<1x16xf32>
      tpu.vector_store %arg6[%swap3A_94, %swap3A_95], %swap3A_98 {strides = array<i32>} : memref<128x128xf32, #tpu.memory_space<vmem>>, vector<1x16xf32>,
      %swap3A_99 = arith.index_cast %scan3A_14 : i32 to index
      %swap3A_100 = arith.constant 64 : index
      %swap3A_101 = tpu.vector_load %arg6[%swap3A_99, %swap3A_100] {strides = array<i32>} : memref<128x128xf32, #tpu.memory_space<vmem>>, vector<1x16xf32>,
      %swap3A_102 = vector.shape_cast %swap3A_101 : vector<1x16xf32> to vector<16xf32>
      %swap3A_103 = vector.shape_cast %scan3A_78#4 : vector<16xf32> to vector<1x16xf32>
      tpu.vector_store %arg6[%swap3A_99, %swap3A_100], %swap3A_103 {strides = array<i32>} : memref<128x128xf32, #tpu.memory_space<vmem>>, vector<1x16xf32>,
      %swap3A_104 = arith.index_cast %scan3A_14 : i32 to index
      %swap3A_105 = arith.constant 80 : index
      %swap3A_106 = tpu.vector_load %arg6[%swap3A_104, %swap3A_105] {strides = array<i32>} : memref<128x128xf32, #tpu.memory_space<vmem>>, vector<1x16xf32>,
      %swap3A_107 = vector.shape_cast %swap3A_106 : vector<1x16xf32> to vector<16xf32>
      %swap3A_108 = vector.shape_cast %scan3A_78#5 : vector<16xf32> to vector<1x16xf32>
      tpu.vector_store %arg6[%swap3A_104, %swap3A_105], %swap3A_108 {strides = array<i32>} : memref<128x128xf32, #tpu.memory_space<vmem>>, vector<1x16xf32>,
      %swap3A_109 = arith.index_cast %scan3A_14 : i32 to index
      %swap3A_110 = arith.constant 96 : index
      %swap3A_111 = tpu.vector_load %arg6[%swap3A_109, %swap3A_110] {strides = array<i32>} : memref<128x128xf32, #tpu.memory_space<vmem>>, vector<1x16xf32>,
      %swap3A_112 = vector.shape_cast %swap3A_111 : vector<1x16xf32> to vector<16xf32>
      %swap3A_113 = vector.shape_cast %scan3A_78#6 : vector<16xf32> to vector<1x16xf32>
      tpu.vector_store %arg6[%swap3A_109, %swap3A_110], %swap3A_113 {strides = array<i32>} : memref<128x128xf32, #tpu.memory_space<vmem>>, vector<1x16xf32>,
      %swap3A_114 = arith.index_cast %scan3A_14 : i32 to index
      %swap3A_115 = arith.constant 112 : index
      %swap3A_116 = tpu.vector_load %arg6[%swap3A_114, %swap3A_115] {strides = array<i32>} : memref<128x128xf32, #tpu.memory_space<vmem>>, vector<1x16xf32>,
      %swap3A_117 = vector.shape_cast %swap3A_116 : vector<1x16xf32> to vector<16xf32>
      %swap3A_118 = vector.shape_cast %scan3A_78#7 : vector<16xf32> to vector<1x16xf32>
      tpu.vector_store %arg6[%swap3A_114, %swap3A_115], %swap3A_118 {strides = array<i32>} : memref<128x128xf32, #tpu.memory_space<vmem>>, vector<1x16xf32>,
      %add3A_119 = arith.constant 8 : i32
      %add3A_120 = arith.addi %scan3A_14, %add3A_119 : i32
      %lt3A = arith.constant 128 : i32
      %lt3A_121 = arith.cmpi slt, %add3A_120, %lt3A : i32
      %convert_element_type3A = arith.extui %lt3A_121 : i1 to i32
      %cond3A = arith.constant 0 : i32
      %cond3A_122 = arith.cmpi ne, %convert_element_type3A, %cond3A : i32
      scf.if %cond3A_122 {
        %add3A_123 = arith.constant 8 : i32
        %add3A_124 = arith.addi %scan3A_14, %add3A_123 : i32
        %dma_start3A = arith.constant 0 : i32
        %dma_start3A_125 = arith.constant 0 : i32
        %dma_start3A_126 = tpu.memref_slice %arg7[%rem3A_15, %dma_start3A, %dma_start3A_125] : memref<8x50x128xf32, #tpu.memory_space<vmem>> -> memref<1x50x128xf32, #tpu.memory_space<vmem>>
        %dma_start3A_127 = tpu.memref_squeeze %dma_start3A_126 : memref<1x50x128xf32, #tpu.memory_space<vmem>> -> memref<50x128xf32, #tpu.memory_space<vmem>>
        %dma_start3A_128 = arith.constant 0 : i32
        %dma_start3A_129 = tpu.memref_slice %arg5[%add3A_124, %dma_start3A_128] : memref<128x56xi32, #tpu.memory_space<vmem>> -> memref<1x50xi32, #tpu.memory_space<vmem>>
        %dma_start3A_130 = tpu.memref_squeeze %dma_start3A_129 : memref<1x50xi32, #tpu.memory_space<vmem>> -> memref<50xi32, #tpu.memory_space<vmem>>
        %dma_start3A_131 = arith.constant 0 : i32
        %dma_start3A_132 = arith.constant 0 : i32
        %dma_start3A_133 = tpu.memref_slice %arg3[%dma_start3A_131, %dma_start3A_132] : memref<100000x128xf32, #tpu.memory_space<hbm>> -> memref<100000x128xf32, #tpu.memory_space<hbm>>
        %dma_start3A_134 = tpu.memref_slice %arg8[%rem3A_15] : memref<8x!tpu.dma_semaphore, #tpu.memory_space<semaphore_mem>> -> memref<1x!tpu.dma_semaphore, #tpu.memory_space<semaphore_mem>>
        %dma_start3A_135 = tpu.memref_squeeze %dma_start3A_134 : memref<1x!tpu.dma_semaphore, #tpu.memory_space<semaphore_mem>> -> memref<!tpu.dma_semaphore, #tpu.memory_space<semaphore_mem>>
        tpu.enqueue_indirect_dma source(%dma_start3A_133 : memref<100000x128xf32, #tpu.memory_space<hbm>>) target(%dma_start3A_127 : memref<50x128xf32, #tpu.memory_space<vmem>>) offsets(%dma_start3A_130 : memref<50xi32, #tpu.memory_space<vmem>>) semaphore(%dma_start3A_135 : memref<!tpu.dma_semaphore, #tpu.memory_space<semaphore_mem>>)
      } else {
      }
    }
    %scan3A_13 = arith.constant 128 : i32
    "tpu.region"() ({
      %run_scoped3A = tpu.sem_alloc : memref<!tpu.dma_semaphore, #tpu.memory_space<semaphore_mem>>
      %dma_start3A = arith.constant 0 : i32
      %dma_start3A_14 = tpu.memref_slice %arg4[%mul3A_2, %dma_start3A] : memref<4096x128xf32, #tpu.memory_space<hbm>> -> memref<128x128xf32, #tpu.memory_space<hbm>>
      %dma_start3A_15 = arith.constant 0 : i32
      %dma_start3A_16 = tpu.memref_slice %arg4[%mul3A_2, %dma_start3A_15] : memref<4096x128xf32, #tpu.memory_space<hbm>> -> memref<128x128xf32, #tpu.memory_space<hbm>>
      tpu.enqueue_dma source(%arg6 : memref<128x128xf32, #tpu.memory_space<vmem>>) target(%dma_start3A_16 : memref<128x128xf32, #tpu.memory_space<hbm>>) target_semaphore(%run_scoped3A : memref<!tpu.dma_semaphore, #tpu.memory_space<semaphore_mem>>)
      %dma_wait3A = arith.constant 0 : i32
      %dma_wait3A_17 = tpu.memref_slice %arg4[%mul3A_2, %dma_wait3A] : memref<4096x128xf32, #tpu.memory_space<hbm>> -> memref<128x128xf32, #tpu.memory_space<hbm>>
      %dma_wait3A_18 = arith.constant 0 : i32
      %dma_wait3A_19 = tpu.memref_slice %arg4[%mul3A_2, %dma_wait3A_18] : memref<4096x128xf32, #tpu.memory_space<hbm>> -> memref<128x128xf32, #tpu.memory_space<hbm>>
      tpu.wait_dma2 semaphore(%run_scoped3A : memref<!tpu.dma_semaphore, #tpu.memory_space<semaphore_mem>>) src(%arg6 : memref<128x128xf32, #tpu.memory_space<vmem>>) dst(%dma_wait3A_19 : memref<128x128xf32, #tpu.memory_space<hbm>>)
      tpu.yield
    }) : () -> ()
    return
  }
}

module attributes {stable_mosaic.version = 14 : i64} {
  func.func @body(%arg0: memref<4096x128xf32, #tpu.memory_space<vmem>>, %arg1: memref<128x128xf32, #tpu.memory_space<vmem>>, %arg2: memref<1x128xf32, #tpu.memory_space<vmem>>, %arg3: memref<4096x128xf32, #tpu.memory_space<vmem>>) attributes {dimension_semantics = [], scalar_prefetch = 0 : i64, scratch_operands = 0 : i64, tpu.core_type = #tpu.core_type<tc>} {
    %get3A = arith.constant 0 : index
    %get3A_0 = arith.constant 0 : index
    %get3A_1 = vector.load %arg0[%get3A, %get3A_0] : memref<4096x128xf32, #tpu.memory_space<vmem>>, vector<4096x128xf32>
    %gt3A = arith.constant 0.000000e+00 : f32
    %gt3A_2 = vector.broadcast %gt3A : f32 to vector<4096x128xf32>
    %gt3A_3 = arith.cmpf ogt, %get3A_1, %gt3A_2 : vector<4096x128xf32>
    %exp3A = math.exp %get3A_1 : vector<4096x128xf32>
    %sub3A = arith.constant 1.000000e+00 : f32
    %sub3A_4 = vector.broadcast %sub3A : f32 to vector<4096x128xf32>
    %sub3A_5 = arith.subf %exp3A, %sub3A_4 : vector<4096x128xf32>
    %mul3A = arith.constant 1.67326319 : f32
    %mul3A_6 = vector.broadcast %mul3A : f32 to vector<4096x128xf32>
    %mul3A_7 = arith.mulf %mul3A_6, %sub3A_5 : vector<4096x128xf32>
    %select_n3A = arith.select %gt3A_3, %get3A_1, %mul3A_7 : vector<4096x128xi1>, vector<4096x128xf32>
    %mul3A_8 = arith.constant 1.05070102 : f32
    %mul3A_9 = vector.broadcast %mul3A_8 : f32 to vector<4096x128xf32>
    %mul3A_10 = arith.mulf %mul3A_9, %select_n3A : vector<4096x128xf32>
    %get3A_11 = arith.constant 0 : index
    %get3A_12 = arith.constant 0 : index
    %get3A_13 = vector.load %arg1[%get3A_11, %get3A_12] : memref<128x128xf32, #tpu.memory_space<vmem>>, vector<128x128xf32>
    %dot_general3A = arith.constant dense<0.000000e+00> : vector<4096x128xf32>
    %dot_general3A_14 = tpu.matmul %mul3A_10, %get3A_13, %dot_general3A {dimension_numbers = #tpu.dot_dimension_numbers<[1], [1], [0], [0], [0, 0, 1, 0], [], []>, transpose_lhs_hint = false} : vector<4096x128xf32>, vector<128x128xf32>, vector<4096x128xf32> -> vector<4096x128xf32>
    %get3A_15 = arith.constant 0 : index
    %get3A_16 = arith.constant 0 : index
    %get3A_17 = vector.load %arg2[%get3A_15, %get3A_16] : memref<1x128xf32, #tpu.memory_space<vmem>>, vector<1x128xf32>
    %add3A = vector.broadcast %get3A_17 : vector<1x128xf32> to vector<4096x128xf32>
    %add3A_18 = arith.addf %dot_general3A_14, %add3A : vector<4096x128xf32>
    %swap3A = arith.constant 0 : index
    %swap3A_19 = arith.constant 0 : index
    %swap3A_20 = vector.load %arg3[%swap3A, %swap3A_19] : memref<4096x128xf32, #tpu.memory_space<vmem>>, vector<4096x128xf32>
    tpu.vector_store %arg3[%swap3A, %swap3A_19], %add3A_18 {strides = array<i32>} : memref<4096x128xf32, #tpu.memory_space<vmem>>, vector<4096x128xf32>,
    return
  }
}

</mosaic_0001>

<sc_bundles>
// kernel: kernel.4.cloned.1.call-start
scs
__scs_entry_jumppad:
0x0: {  	(pc) =	sbr.rel $0x88, $3  }
0x1: {  	(tag) =	ssettag $0x0;
	lr =	simm.s32 $0x1  }
0x2: {  	[smem:$0x3F9D] =	sst lr;
	_ =	strace $0xD0000000  }
0x3: {  	_ = 	snop  }
0x4: {  	_ = 	snop  }
0x5: {  	_ = 	snop  }
0x6: {  	_ = 	snop  }
0x7: {  	_ = 	snop  }
__scs_overlays_trampoline_lowered:
0x8: {  	[smem:$0x3FAC] =	sst s0  }
0x9: {  	[smem:$0x3FAD] =	sst s1  }
0xa: {  	[smem:$0x3FAE] =	sst s2  }
0xb: {  	[smem:$0x3FAF] =	sst s3  }
0xc: {  	[smem:$0x3FB0] =	sst s4  }
0xd: {  	[smem:$0x3FB1] =	sst s5  }
0xe: {  	[smem:$0x3FB2] =	sst s6  }
0xf: {  	[smem:$0x3FB3] =	sst s7  }
0x10: {  	[smem:$0x3FB4] =	sst s8  }
0x11: {  	[smem:$0x3FB5] =	sst s9;
	s0 =	simm.s32 @!p0 $0x0  }
0x12: {  	s1 =	sld [smem:$0x3F9B];
	s0 =	simm.s32 @p0 $0x1  }
0x13: {  	[smem:$0x3FB6] =	sst s0;
	s0 =	simm.s32 @!p1 $0x0  }
0x14: {  	s2 =	sld [smem:$0x3F9A];
	s0 =	simm.s32 @p1 $0x1  }
0x15: {  	[smem:$0x3FB7] =	sst s0;
	s0 =	simm.s32 @!p2 $0x0  }
0x16: {  	s3 =	sld [smem:$0x3FDB];
	s0 =	simm.s32 @p2 $0x1  }
0x17: {  	s4 =	simm.s32 $0x1BF5;
	[smem:$0x3FB9] =	sst s0  }
0x18: {  	s0 =	sld [smem:$0x3F9C];
	_ =	swait.ge [sflag:s4], $0x0  }
0x19: {  	s7 =	sld [smem:$0x3F9D]  }
0x1a: {  	s8 =	sadd.s32 $0xFFFFE003, lr  }
0x1b: {  	s9 =	sadd.s32 $0xFFFFFEF7, lr;
	s5 =	simm.s32 $0xFFFFFFFF;
	p2 =	slt.u32 s8, $0xFFFFF086  }
0x1c: {  	p1 =	slt.u32 s9, $0xF7A;
	s5 =	simm.s32 @!p2 $0x0  }
0x1d: {  	s5 =	simm.s32 @p1 $0x1;
	p0 =	seq.s32 s7, s2  }
0x1e: {  	s7 =	smul.u32 @!p0 $0xF7A, s2;
	p2 =	seq.s32 @!p0 s5, $0x0  }
0x1f: {  	s9 =	smul.u32 $0xF7A, s1;
	s8 =	simm.s32 @!p0 $0x1BF5;
	p2 =	por !p2, p0  }
0x20: {  	[sflag:s8] =	ssyncset.s32 @!p0 $0xFFFFF086;
	s6 =	sadd.s32 @!p0 s3, s7;
	s7 =	simm.s32 @!p0 $0x108  }
0x21: {  	s3 =	sadd.s32 s3, s9;
	s6 =	sadd.s32 @!p0 $0x88, s6;
	s7 =	simm.s32 @p2 $0x1082  }
0x22: {  	[simem:s7], [sflag:s8] =	dma.local @!p0 [hbm:s6], $0xF7A  }
0x23: {  	s9 =	sor.u32 $0xD0000000, s2;
	s6 =	simm.s32 $0x108;
	_ =	swait.ge @!p0 [sflag:s8], $0x0  }
0x24: {  	s3 =	sadd.s32 $0x88, s3;
	s6 =	simm.s32 @!p1 $0x1082;
	[sflag:s4] =	ssyncset.s32 $0xFFFFF086  }
0x25: {  	[simem:s6], [sflag:s4] =	dma.local [hbm:s3], $0xF7A  }
0x26: {  	[smem:$0x3F9D] =	sst s1;
	(tag) =	ssettag s2;
	_ =	strace s9  }
0x27: {  	s1 =	sld [smem:$0x3FAD]  }
0x28: {  	s2 =	sld [smem:$0x3FAE]  }
0x29: {  	s4 =	sld [smem:$0x3FB0]  }
0x2a: {  	p0 =	seq.s32 s5, $0x0;
	s5 =	sld [smem:$0x3FB1]  }
0x2b: {  	s6 =	sld [smem:$0x3FB2]  }
0x2c: {  	s7 =	sld [smem:$0x3FB3]  }
0x2d: {  	s3 =	simm.s32 $0x108;
	s8 =	sld [smem:$0x3FB4]  }
0x2e: {  	s3 =	simm.s32 @!p0 $0x1082;
	s9 =	sld [smem:$0x3FB5]  }
0x2f: {  	lr =	sadd.s32 s0, s3;
	s0 =	sld [smem:$0x3FAC]  }
0x30: {  	s3 =	sld [smem:$0x3FAF]  }
0x31: {  	[smem:$0x3FB8] =	sst s10  }
0x32: {  	s10 =	sld [smem:$0x3FB6];
	_ =	sdelay $0x3  }
0x33: {  	p0 =	seq.s32 s10, $0x1;
	s10 =	sld [smem:$0x3FB8];
	_ =	sdelay $0x3  }
0x34: {  	[smem:$0x3FB8] =	sst s10  }
0x35: {  	s10 =	sld [smem:$0x3FB7];
	_ =	sdelay $0x3  }
0x36: {  	p1 =	seq.s32 s10, $0x1;
	s10 =	sld [smem:$0x3FB8];
	_ =	sdelay $0x3  }
0x37: {  	[smem:$0x3FB8] =	sst s10  }
0x38: {  	s10 =	sld [smem:$0x3FB9]  }
0x39: {  	_ = 	snop;
	(pc) =	sbr.ind lr, $3  }
0x3a: {  	_ = 	snop  }
0x3b: {  	_ = 	snop  }
0x3c: {  	p2 =	seq.s32 s10, $0x1;
	s10 =	sld [smem:$0x3FB8]  }
0x3d: {  	_ =	shalt  }
0x3e: {  	_ =	shalt  }
0x3f: {  	_ =	shalt  }
0x40: {  	_ =	shalt  }
0x41: {  	_ =	shalt  }
0x42: {  	_ =	shalt  }
0x43: {  	_ =	shalt  }
0x44: {  	_ =	shalt  }
0x45: {  	_ =	shalt  }
0x46: {  	_ =	shalt  }
0x47: {  	_ =	shalt  }
0x48: {  	_ =	shalt  }
0x49: {  	_ =	shalt  }
0x4a: {  	_ =	shalt  }
0x4b: {  	_ =	shalt  }
0x4c: {  	_ =	shalt  }
0x4d: {  	_ =	shalt  }
0x4e: {  	_ =	shalt  }
0x4f: {  	_ =	shalt  }
0x50: {  	_ =	shalt  }
0x51: {  	_ =	shalt  }
0x52: {  	_ =	shalt  }
0x53: {  	_ =	shalt  }
0x54: {  	_ =	shalt  }
0x55: {  	_ =	shalt  }
0x56: {  	_ =	shalt  }
0x57: {  	_ =	shalt  }
0x58: {  	_ =	shalt  }
0x59: {  	_ =	shalt  }
0x5a: {  	_ =	shalt  }
0x5b: {  	_ =	shalt  }
0x5c: {  	_ =	shalt  }
0x5d: {  	_ =	shalt  }
0x5e: {  	_ =	shalt  }
0x5f: {  	_ =	shalt  }
0x60: {  	_ =	shalt  }
0x61: {  	_ =	shalt  }
0x62: {  	_ =	shalt  }
0x63: {  	_ =	shalt  }
0x64: {  	_ =	shalt  }
0x65: {  	_ =	shalt  }
0x66: {  	_ =	shalt  }
0x67: {  	_ =	shalt  }
0x68: {  	_ =	shalt  }
0x69: {  	_ =	shalt  }
0x6a: {  	_ =	shalt  }
0x6b: {  	_ =	shalt  }
0x6c: {  	_ =	shalt  }
0x6d: {  	_ =	shalt  }
0x6e: {  	_ =	shalt  }
0x6f: {  	_ =	shalt  }
0x70: {  	_ =	shalt  }
0x71: {  	_ =	shalt  }
0x72: {  	_ =	shalt  }
0x73: {  	_ =	shalt  }
0x74: {  	_ =	shalt  }
0x75: {  	_ =	shalt  }
0x76: {  	_ =	shalt  }
0x77: {  	_ =	shalt  }
0x78: {  	_ =	shalt  }
0x79: {  	_ =	shalt  }
0x7a: {  	_ =	shalt  }
0x7b: {  	_ =	shalt  }
0x7c: {  	_ =	shalt  }
0x7d: {  	_ =	shalt  }
0x7e: {  	_ =	shalt  }
0x7f: {  	_ =	shalt  }
0x80: {  	_ =	shalt  }
0x81: {  	_ =	shalt  }
0x82: {  	_ =	shalt  }
0x83: {  	_ =	shalt  }
0x84: {  	_ =	shalt  }
0x85: {  	_ =	shalt  }
0x86: {  	_ =	shalt  }
0x87: {  	_ =	shalt  }
.Lfunc_end0:
.L_simem_size_0:
called_computation_lowered:
.L_overlay_start_0:
0x88: {  	s2 =	sld [smem:$0x3FD9]  }
0x89: {  	s3 =	sld [smem:$0x3FFE];
	_ =	sdelay $0x1  }
0x8a: {  	s1 =	srdreg.scid  }
0x8b: {  	s0 =	sand.u32 $0x1, s1  }
0x8c: {  	s17 =	sshll.u32 s0, $0xA;
	s2 =	sadd.s32 s3, s2  }
0x8d: {  	s2 =	sadd.s32 s2, s17  }
0x8e: {  	[smem:$0x3FC4] =	sst s2  }
0x8f: {  	_ = 	snop  }
0x90: {  	s2 =	sld [smem:$0x3FC8]  }
0x91: {  	s18 =	sld [smem:$0x3FD0];
	(tm) =	ssettm $0x1  }
0x92: {  	s4 =	sld [smem:$0x3FFB];
	_ =	sdelay $0x3  }
0x93: {  	_ =	strace s4  }
0x94: {  	s4 =	sld [smem:$0x3FFC];
	_ =	sdelay $0x3  }
0x95: {  	_ =	strace s4  }
0x96: {  	s4 =	sld [smem:$0x3FFD];
	_ =	sdelay $0x3  }
0x97: {  	_ =	strace s4  }
0x98: {  	_ =	strace $0x8FFFFFFF  }
0x99: {  	s19 =	sld [smem:$0x3FDB];
	_ =	sdelay $0x1  }
0x9a: {  	s5 =	simm.s32 $_scs_section_size  }
0x9b: {  	s6 =	simm.s32 $_size__tile_overlayer_lowered;
	s7 =	simm.s32 $_tile_overlayer_lowered  }
0x9c: {  	s22 =	simm.s32 $0x1BFF;
	s21 =	sshll.u32 s7, $0x1;
	s4 =	sadd.s32 s5, s19  }
0x9d: {  	s8 =	simm.s32 $0x0;
	s20 =	sshll.u32 s6, $0x1;
	s6 =	sadd.s32 s21, s4  }
0x9e: {  	[timem:s8], [sflag:s22] =	dma.local [hbm:s6], s20  }
0x9f: {  	_ =	swait.ge [sflag:s22], s20  }
0xa0: {  	s5 =	ssub.s32 $0x0, s20;
	[sflag:s22] =	ssyncset.done $0x0  }
0xa1: {  	[sflag:s22] =	ssyncadd.s32 s5;
	_ =	sdelay $0x1  }
0xa2: {  	s23 =	simm.s32 $0x1B8B  }
0xa3: {  	_ =	swait.ge [sflag:s23], $0x1  }
0xa4: {  	[sflag:s23] =	ssyncset.done $0x0  }
0xa5: {  	s25 =	simm.s32 $0x1B8E;
	s24 =	sld [smem:$0x3FFE];
	[sflag:s23] =	ssyncadd.s32 $0xFFFFFFFF  }
0xa6: {  	s26 =	simm.s32 $execute0_lowered;
	[smem:$0x3FD2] =	sst s25  }
0xa7: {  	s6 =	sshll.u32 s26, $0x1;
	_ =	strace $0x80000046;
	[dreg:$0x1] =	wrdreg $0xFFFFFFFF  }
0xa8: {  	s28 =	simm.s32 $_size_execute0_lowered;
	s4 =	sadd.s32 s4, s6;
	[dreg:$0x0] =	wrdreg $0x0  }
0xa9: {  	s6 =	sshll.u32 s28, $0x1;
	[dreg:$0x2] =	wrdreg s4  }
0xaa: {  	[dreg:$0x3] =	wrdreg s6  }
0xab: {  	[dreg:$0x4] =	wrdreg $0xC0  }
0xac: {  	_ =	task [dreg:s8], $0x5FFFF  }
0xad: {  	[dreg:$0x1] =	wrdreg $0xFFFFFFFF  }
0xae: {  	[dreg:$0x0] =	wrdreg $0x60  }
0xaf: {  	[dreg:$0x2] =	wrdreg s18  }
0xb0: {  	[dreg:$0x3] =	wrdreg s2  }
0xb1: {  	[dreg:$0x4] =	wrdreg s24  }
0xb2: {  	[dreg:$0x5] =	wrdreg $0x9  }
0xb3: {  	_ =	task.clear_ibuf [dreg:s8], $0x6FFFF;
	_ =	strace $0x90000046  }
0xb4: {  	s29 =	simm.s32 $0x9;
	_ =	strace $0x80000048  }
0xb5: {  	_ =	swait.ge [sflag:s29], $0x1  }
0xb6: {  	[sflag:s29] =	ssyncadd.s32 $0xFFFFFFFF  }
0xb7: {  	_ =	strace $0x90000048  }
0xb8: {  	_ =	sfence  }
0xb9: {  	s30 =	sld [smem:$0x0];
	_ =	sdelay $0x2  }
0xba: {  	s31 =	sshll.u32 s1, $0xD;
	s1 =	sshrl.u32 s1, $0x2  }
0xbb: {  	s3 =	sand.u32 $0x4000, s31;
	s1 =	sadd.s32 s1, s30  }
0xbc: {  	s0 =	sor.u32 s3, s0;
	s1 =	sshll.u32 s1, $0x11  }
0xbd: {  	s0 =	sor.u32 s1, s0  }
0xbe: {  	s0 =	sadd.s32 $0x8F2B, s0  }
0xbf: {  	[sflag:s0] =	ssyncadd.remote.s32 $0x1  }
0xc0: {  	_ =	sfence.sel $0xFFFF  }
0xc1: {  	[dreg:$0x0] =	wrdreg $0xFFFFFFFF;
	(pc) =	sbr.abs _section_cstart, $3  }
0xc2: {  	[dreg:$0x1] =	wrdreg $0xFFFFFFFF  }
0xc3: {  	_ =	task.clear_ibuf [dreg:s8], $0x2FFFF;
	_ =	strace $0x9FFFFFFF  }
0xc4: {  	(tm) =	ssettm $0x7FFFFFFF  }
0xc5: {  	_ =	shalt  }
tec
execute0_lowered:
.L_overlay_start_1:
0x0: {  	(tag) =	ssettag $0x1  }
0x1: {  	s0 =	rddreg [dreg:$0x0]  }
0x2: {  	s1 =	rddreg [dreg:$0x1]  }
0x3: {  	s2 =	rddreg [dreg:$0x2];
	s3 =	simm.s32 $0x0;
	s4 =	srdreg.scid  }
0x4: {  	s6 =	stileid.u32;
	s7 =	simm.s32 $0x9;
	s8 =	simm.s32 $0x32  }
0x5: {  	s9 =	simm.s32 $0x8000;
	s10 =	simm.s32 $0x80;
	s11 =	simm.s32 $0x9C00  }
0x6: {  	s12 =	simm.s32 $0x100;
	s13 =	simm.s32 $0xB800;
	s14 =	simm.s32 $0x180  }
0x7: {  	s15 =	simm.s32 $0xD400;
	s16 =	simm.s32 $0x200;
	s17 =	simm.s32 $0xF000  }
0x8: {  	s18 =	simm.s32 $0x280;
	s19 =	simm.s32 $0x10C00;
	s20 =	simm.s32 $0x300  }
0x9: {  	s21 =	simm.s32 $0x12800;
	s22 =	simm.s32 $0x380;
	s23 =	simm.s32 $0x14400  }
0xa: {  	s24 =	simm.s32 $0x4000;
	s25 =	simm.s32 $0x0;
	s4 =	sand.u32 $0x1, s4  }
0xb: {  	s6 =	sshll.u32 s6, $0xB;
	s5 =	sshll.u32 s4, $0xF;
	s4 =	ssub.s32 $0x2, s4  }
0xc: {  	[smem:$0x7FF] =	sst s3;
	s5 =	sor.u32 s6, s5;
	s31 =	sshrl.u32 s4, $0x1  }
0xd: {  	_ =	strace $0x80000047;
	s2 =	sadd.s32 s5, s2;
	s6 =	ssub.s32 s4, s31  }
0xe: {  	s4 =	sadd.s32 s0, s5;
	s5 =	sadd.s32 $0xA00, s2;
	s6 =	smax.u32 s6, $0x1  }
.LBB2_1:
0xf: {  	[tilespmem:s3], [sflag:$0x9] =	stream.linear.gather [hbm4b:s4+s3], $0x4000, $0x38;
	[tilespmem:$0x16000] =	vst v63  }
0x10: {  	_ =	swait.ge [sflag:s7], $0x4000  }
0x11: {  	[sflag:s7] =	ssyncset.done $0x0  }
0x12: {  	[sflag:s7] =	ssyncadd.s32 $0xFFFFC000  }
0x13: {  	[tilespmem:s9], [sflag:$0x1] =	stream.indirect.gather [hbm4b:s1+s8], $0x80, s3, s8, $0xb8;
	[tilespmem:$0x16000] =	vst v63  }
0x14: {  	_ = 	snop  }
0x15: {  	[tilespmem:s11], [sflag:$0x2] =	stream.indirect.gather [hbm4b:s1+s8], $0x80, s10, s8, $0xb8;
	[tilespmem:$0x16000] =	vst v63  }
0x16: {  	_ = 	snop  }
0x17: {  	[tilespmem:s13], [sflag:$0x3] =	stream.indirect.gather [hbm4b:s1+s8], $0x80, s12, s8, $0xb8;
	[tilespmem:$0x16000] =	vst v63  }
0x18: {  	_ = 	snop  }
0x19: {  	[tilespmem:s15], [sflag:$0x4] =	stream.indirect.gather [hbm4b:s1+s8], $0x80, s14, s8, $0xb8;
	[tilespmem:$0x16000] =	vst v63  }
0x1a: {  	_ = 	snop  }
0x1b: {  	[tilespmem:s17], [sflag:$0x5] =	stream.indirect.gather [hbm4b:s1+s8], $0x80, s16, s8, $0xb8;
	[tilespmem:$0x16000] =	vst v63  }
0x1c: {  	_ = 	snop  }
0x1d: {  	[tilespmem:s19], [sflag:$0x6] =	stream.indirect.gather [hbm4b:s1+s8], $0x80, s18, s8, $0xb8;
	[tilespmem:$0x16000] =	vst v63  }
0x1e: {  	_ = 	snop  }
0x1f: {  	[tilespmem:s21], [sflag:$0x7] =	stream.indirect.gather [hbm4b:s1+s8], $0x80, s20, s8, $0xb8;
	[tilespmem:$0x16000] =	vst v63  }
0x20: {  	s26 =	simm.s32 $0x0;
	s28 =	simm.s32 $0x0  }
0x21: {  	[tilespmem:s23], [sflag:$0x8] =	stream.indirect.gather [hbm4b:s1+s8], $0x80, s22, s8, $0xb8;
	[tilespmem:$0x16000] =	vst v63  }
.LBB2_2:
0x22: {  	s0 =	sand.u32 $0x7, s28  }
0x23: {  	s29 =	sadd.s32 $0x1, s0  }
0x24: {  	s0 =	smul.u32 $0x7000, s0;
	_ =	swait.ge [sflag:s29], $0x1900  }
0x25: {  	[sflag:s29] =	ssyncset.done $0x0  }
0x26: {  	s0 =	sshrl.u32 s0, $0x2;
	[sflag:s29] =	ssyncadd.s32 $0xFFFFE700  }
0x27: {  	v4 =	vld [tilespmem:s0+$0x8000]  }
0x28: {  	v5 =	vld [tilespmem:s0+$0x8010]  }
0x29: {  	v6 =	vld [tilespmem:s0+$0x8020]  }
0x2a: {  	s2 =	sand.u32 $0x7, s26;
	v7 =	vld [tilespmem:s0+$0x8030]  }
0x2b: {  	s2 =	smul.u32 $0x7000, s2;
	v8 =	vld [tilespmem:s0+$0x8040]  }
0x2c: {  	v9 =	vld [tilespmem:s0+$0x8050]  }
0x2d: {  	s2 =	sshrl.u32 s2, $0x2;
	v10 =	vld [tilespmem:s0+$0x8060]  }
0x2e: {  	s2 =	sadd.s32 $0x8200, s2;
	v11 =	vld [tilespmem:s0+$0x8070]  }
0x2f: {  	v12 =	vld [tilespmem:s2+$0x180]  }
0x30: {  	v13 =	vld [tilespmem:s2+$0x190]  }
0x31: {  	v14 =	vld [tilespmem:s2+$0x1A0]  }
0x32: {  	v15 =	vld [tilespmem:s2+$0x1B0]  }
0x33: {  	v0 =	vld [tilespmem:s2+$0x1C0]  }
0x34: {  	v1 =	vld [tilespmem:s2+$0x1D0]  }
0x35: {  	v16 =	vld [tilespmem:s2+$0x100]  }
0x36: {  	v17 =	vld [tilespmem:s2+$0x110]  }
0x37: {  	v18 =	vld [tilespmem:s2+$0x120]  }
0x38: {  	v19 =	vld [tilespmem:s2+$0x130]  }
0x39: {  	v3 =	vld [tilespmem:s2+$0x140]  }
0x3a: {  	v2 =	vld [tilespmem:s2+$0x150]  }
0x3b: {  	v20 =	vld [tilespmem:s2+$0x80]  }
0x3c: {  	v21 =	vld [tilespmem:s2+$0x90]  }
0x3d: {  	v22 =	vld [tilespmem:s2+$0xA0]  }
0x3e: {  	v23 =	vld [tilespmem:s2+$0xB0]  }
0x3f: {  	v24 =	vld [tilespmem:s2+$0xC0]  }
0x40: {  	v25 =	vld [tilespmem:s2+$0xD0]  }
0x41: {  	v26 =	vld [tilespmem:s2+$0x0]  }
0x42: {  	v27 =	vld [tilespmem:s2+$0x10]  }
0x43: {  	v28 =	vld [tilespmem:s2+$0x20]  }
0x44: {  	v30 =	vld [tilespmem:s2+$0xFFFFFF80]  }
0x45: {  	v31 =	vld [tilespmem:s2+$0xFFFFFF90]  }
0x46: {  	v32 =	vld [tilespmem:s2+$0xFFFFFF00]  }
0x47: {  	v33 =	vld [tilespmem:s2+$0xFFFFFF10]  }
0x48: {  	v34 =	vld [tilespmem:s2+$0xFFFFFE80]  }
0x49: {  	v35 =	vld [tilespmem:s2+$0xFFFFFE90]  }
0x4a: {  	v36 =	vld [tilespmem:s2+$0xFFFFFEA0]  }
0x4b: {  	v37 =	vld [tilespmem:s2+$0xFFFFFEB0]  }
0x4c: {  	v60 =	vld [tilespmem:s2+$0xFFFFFEC0]  }
0x4d: {  	v61 =	vld [tilespmem:s2+$0xFFFFFED0]  }
0x4e: {  	v38 =	vld [tilespmem:s2+$0xFFFFFF20]  }
0x4f: {  	v39 =	vld [tilespmem:s2+$0xFFFFFF30]  }
0x50: {  	v40 =	vld [tilespmem:s2+$0xFFFFFFA0];
	v4 =	vadd.f32 v34, v4;
	v5 =	vadd.f32 v35, v5  }
0x51: {  	v53 =	vld [tilespmem:s2+$0xFFFFFFB0];
	v6 =	vadd.f32 v36, v6;
	v7 =	vadd.f32 v37, v7  }
0x52: {  	v29 =	vld [tilespmem:s2+$0x30];
	v8 =	vadd.f32 v60, v8;
	v9 =	vadd.f32 v61, v9  }
0x53: {  	v54 =	vld [tilespmem:s2+$0x40];
	v4 =	vadd.f32 v32, v4;
	v5 =	vadd.f32 v33, v5  }
0x54: {  	v55 =	vld [tilespmem:s2+$0x50];
	v6 =	vadd.f32 v38, v6;
	v7 =	vadd.f32 v39, v7  }
0x55: {  	v56 =	vld [tilespmem:s2+$0xFFFFFFC0];
	v4 =	vadd.f32 v30, v4;
	v5 =	vadd.f32 v31, v5  }
0x56: {  	v57 =	vld [tilespmem:s2+$0xFFFFFFD0];
	v6 =	vadd.f32 v40, v6;
	v7 =	vadd.f32 v53, v7  }
0x57: {  	v58 =	vld [tilespmem:s2+$0xFFFFFF40];
	v4 =	vadd.f32 v26, v4;
	v5 =	vadd.f32 v27, v5  }
0x58: {  	v62 =	vld [tilespmem:s2+$0xFFFFFEE0];
	v6 =	vadd.f32 v28, v6;
	v7 =	vadd.f32 v29, v7  }
0x59: {  	v63 =	vld [tilespmem:s2+$0xFFFFFEF0];
	v4 =	vadd.f32 v20, v4;
	v5 =	vadd.f32 v21, v5  }
0x5a: {  	v59 =	vld [tilespmem:s2+$0xFFFFFF50];
	v6 =	vadd.f32 v22, v6;
	v7 =	vadd.f32 v23, v7  }
0x5b: {  	v4 =	vadd.f32 v16, v4;
	v5 =	vadd.f32 v17, v5;
	v16 =	vld [tilespmem:s2+$0xFFFFFF60]  }
0x5c: {  	v17 =	vadd.f32 v18, v6;
	v18 =	vadd.f32 v19, v7;
	v19 =	vld [tilespmem:s2+$0xFFFFFF70]  }
0x5d: {  	v10 =	vadd.f32 v62, v10;
	v7 =	vadd.f32 v12, v4;
	v12 =	vld [tilespmem:s2+$0xFFFFFFE0]  }
0x5e: {  	v11 =	vadd.f32 v63, v11;
	v6 =	vadd.f32 v13, v5;
	v13 =	vld [tilespmem:s2+$0xFFFFFFF0]  }
0x5f: {  	v9 =	vadd.f32 v59, v9;
	v5 =	vadd.f32 v14, v17;
	v14 =	vld [tilespmem:s2+$0x60]  }
0x60: {  	v4 =	vadd.f32 v15, v18;
	v15 =	vadd.f32 v58, v8;
	v17 =	vld [tilespmem:s2+$0x70]  }
0x61: {  	v8 =	vld [tilespmem:s2+$0xE0];
	v10 =	vadd.f32 v16, v10;
	v16 =	vadd.f32 v19, v11  }
0x62: {  	v18 =	vadd.f32 v57, v9;
	v15 =	vadd.f32 v56, v15;
	v11 =	vld [tilespmem:s2+$0xF0]  }
0x63: {  	v9 =	vld [tilespmem:s2+$0x160];
	v10 =	vadd.f32 v12, v10;
	v13 =	vadd.f32 v13, v16  }
0x64: {  	v18 =	vadd.f32 v55, v18;
	v16 =	vadd.f32 v54, v15;
	v12 =	vld [tilespmem:s2+$0x170]  }
0x65: {  	v15 =	vadd.f32 v14, v10;
	v14 =	vadd.f32 v17, v13;
	v10 =	vld [tilespmem:s2+$0x1E0]  }
0x66: {  	s31 =	simm.s32 $0x1;
	s30 =	sadd.s32 $0x8000, s0;
	s0 =	sadd.s32 $0x380, s2;
	v17 =	vadd.f32 v24, v16;
	v16 =	vadd.f32 v25, v18;
	v13 =	vld [tilespmem:s2+$0x1F0]  }
.LBB2_3:
0x67: {  	v18 =	vld [tilespmem:s0+$0x180];
	v8 =	vadd.f32 v8, v15;
	v11 =	vadd.f32 v11, v14  }
0x68: {  	v14 =	vld [tilespmem:s0+$0x190];
	v3 =	vadd.f32 v3, v17;
	v2 =	vadd.f32 v2, v16  }
0x69: {  	v15 =	vld [tilespmem:s0+$0x1A0];
	v8 =	vadd.f32 v9, v8;
	v9 =	vadd.f32 v12, v11  }
0x6a: {  	v11 =	vld [tilespmem:s0+$0x1B0];
	v12 =	vadd.f32 v0, v3;
	v16 =	vadd.f32 v1, v2  }
0x6b: {  	v0 =	vld [tilespmem:s0+$0x1C0];
	v8 =	vadd.f32 v10, v8;
	v9 =	vadd.f32 v13, v9  }
0x6c: {  	v1 =	vld [tilespmem:s0+$0x1D0]  }
0x6d: {  	v10 =	vld [tilespmem:s0+$0x100]  }
0x6e: {  	v13 =	vld [tilespmem:s0+$0x110]  }
0x6f: {  	v17 =	vld [tilespmem:s0+$0x120]  }
0x70: {  	v19 =	vld [tilespmem:s0+$0x130]  }
0x71: {  	v3 =	vld [tilespmem:s0+$0x140]  }
0x72: {  	v2 =	vld [tilespmem:s0+$0x150]  }
0x73: {  	v20 =	vld [tilespmem:s0+$0x80]  }
0x74: {  	v21 =	vld [tilespmem:s0+$0x90]  }
0x75: {  	v22 =	vld [tilespmem:s0+$0xA0]  }
0x76: {  	v23 =	vld [tilespmem:s0+$0xB0]  }
0x77: {  	v24 =	vld [tilespmem:s0+$0xC0]  }
0x78: {  	v25 =	vld [tilespmem:s0+$0xD0]  }
0x79: {  	v26 =	vld [tilespmem:s0+$0x0]  }
0x7a: {  	v27 =	vld [tilespmem:s0+$0x10]  }
0x7b: {  	v28 =	vld [tilespmem:s0+$0x20]  }
0x7c: {  	v29 =	vld [tilespmem:s0+$0x30]  }
0x7d: {  	v30 =	vld [tilespmem:s0+$0xFFFFFF80]  }
0x7e: {  	v31 =	vld [tilespmem:s0+$0xFFFFFF90]  }
0x7f: {  	v32 =	vld [tilespmem:s0+$0xFFFFFF00]  }
0x80: {  	v33 =	vld [tilespmem:s0+$0xFFFFFF10]  }
0x81: {  	v34 =	vld [tilespmem:s0+$0xFFFFFE80]  }
0x82: {  	v35 =	vld [tilespmem:s0+$0xFFFFFE90]  }
0x83: {  	v36 =	vld [tilespmem:s0+$0xFFFFFEA0]  }
0x84: {  	v37 =	vld [tilespmem:s0+$0xFFFFFEB0]  }
0x85: {  	v38 =	vld [tilespmem:s0+$0xFFFFFF20]  }
0x86: {  	v39 =	vld [tilespmem:s0+$0xFFFFFF30]  }
0x87: {  	v40 =	vld [tilespmem:s0+$0xFFFFFFA0]  }
0x88: {  	v7 =	vadd.f32 v34, v7;
	v6 =	vadd.f32 v35, v6;
	v34 =	vld [tilespmem:s0+$0xFFFFFFB0]  }
0x89: {  	v5 =	vadd.f32 v36, v5;
	v4 =	vadd.f32 v37, v4;
	v35 =	vld [tilespmem:s0+$0x40]  }
0x8a: {  	v7 =	vadd.f32 v32, v7;
	v6 =	vadd.f32 v33, v6;
	v32 =	vld [tilespmem:s0+$0x50]  }
0x8b: {  	v5 =	vadd.f32 v38, v5;
	v4 =	vadd.f32 v39, v4;
	v33 =	vld [tilespmem:s0+$0xFFFFFFC0]  }
0x8c: {  	v7 =	vadd.f32 v30, v7;
	v6 =	vadd.f32 v31, v6;
	v30 =	vld [tilespmem:s0+$0xFFFFFFD0]  }
0x8d: {  	v5 =	vadd.f32 v40, v5;
	v31 =	vld [tilespmem:s0+$0xFFFFFF40];
	v4 =	vadd.f32 v34, v4  }
0x8e: {  	v7 =	vadd.f32 v26, v7;
	v6 =	vadd.f32 v27, v6;
	v34 =	vld [tilespmem:s0+$0xFFFFFF50]  }
0x8f: {  	v5 =	vadd.f32 v28, v5;
	v26 =	vld [tilespmem:s0+$0xFFFFFEC0];
	v4 =	vadd.f32 v29, v4  }
0x90: {  	v7 =	vadd.f32 v20, v7;
	v6 =	vadd.f32 v21, v6;
	v27 =	vld [tilespmem:s0+$0xFFFFFED0]  }
0x91: {  	v5 =	vadd.f32 v22, v5;
	v20 =	vld [tilespmem:s0+$0xFFFFFEE0];
	v4 =	vadd.f32 v23, v4  }
0x92: {  	s31 =	sadd.s32 $0x7, s31;
	v7 =	vadd.f32 v10, v7;
	v6 =	vadd.f32 v13, v6;
	v21 =	vld [tilespmem:s0+$0xFFFFFEF0]  }
0x93: {  	p0 =	slt.u32 s31, $0x2B;
	v5 =	vadd.f32 v17, v5;
	v10 =	vld [tilespmem:s0+$0xFFFFFF60];
	v4 =	vadd.f32 v19, v4  }
0x94: {  	v7 =	vadd.f32 v18, v7;
	v6 =	vadd.f32 v14, v6;
	v13 =	vld [tilespmem:s0+$0xFFFFFF70]  }
0x95: {  	v5 =	vadd.f32 v15, v5;
	v14 =	vld [tilespmem:s0+$0xFFFFFFE0];
	v4 =	vadd.f32 v11, v4  }
0x96: {  	v11 =	vadd.f32 v26, v12;
	v12 =	vadd.f32 v27, v16;
	v15 =	vld [tilespmem:s0+$0xFFFFFFF0]  }
0x97: {  	v8 =	vadd.f32 v20, v8;
	v9 =	vadd.f32 v21, v9;
	v16 =	vld [tilespmem:s0+$0x60]  }
0x98: {  	v11 =	vadd.f32 v31, v11;
	v12 =	vadd.f32 v34, v12;
	v17 =	vld [tilespmem:s0+$0x70]  }
0x99: {  	v10 =	vadd.f32 v10, v8;
	v9 =	vadd.f32 v13, v9;
	v8 =	vld [tilespmem:s0+$0xE0]  }
.Ltmp0:
0x9a: {  	v13 =	vadd.f32 v33, v11;
	v12 =	vadd.f32 v30, v12;
	v11 =	vld [tilespmem:s0+$0xF0];
	(pc) =	sbr.rel @p0 .LBB2_3-.Ltmp0, $4  }
0x9b: {  	v10 =	vadd.f32 v14, v10;
	v14 =	vadd.f32 v15, v9;
	v9 =	vld [tilespmem:s0+$0x160]  }
0x9c: {  	v13 =	vadd.f32 v35, v13;
	v18 =	vadd.f32 v32, v12;
	v12 =	vld [tilespmem:s0+$0x170]  }
0x9d: {  	v15 =	vadd.f32 v16, v10;
	v14 =	vadd.f32 v17, v14;
	v10 =	vld [tilespmem:s0+$0x1E0]  }
0x9e: {  	v17 =	vadd.f32 v24, v13;
	v16 =	vadd.f32 v25, v18;
	v13 =	vld [tilespmem:s0+$0x1F0];
	s0 =	sadd.s32 $0x380, s0  }
0x9f: {  	s0 =	sshll.u32 s28, $0x9  }
0xa0: {  	s2 =	sshrl.u32 s0, $0x2  }
0xa1: {  	v8 =	vadd.f32 v8, v15;
	v3 =	vadd.f32 v3, v17;
	[tilespmem:s2+$0x4000] =	vst v7  }
0xa2: {  	v59 =	vadd.f32 v11, v14;
	v2 =	vadd.f32 v2, v16;
	[tilespmem:s2+$0x4010] =	vst v6  }
0xa3: {  	v60 =	vadd.f32 v9, v8;
	[tilespmem:s2+$0x4020] =	vst v5;
	v0 =	vadd.f32 v0, v3  }
0xa4: {  	v61 =	vadd.f32 v12, v59;
	[tilespmem:s2+$0x4030] =	vst v4;
	v1 =	vadd.f32 v1, v2  }
0xa5: {  	v62 =	vadd.f32 v10, v60;
	[tilespmem:s2+$0x4040] =	vst v0  }
0xa6: {  	p0 =	sgt.u32 s28, $0x77;
	v63 =	vadd.f32 v13, v61;
	[tilespmem:s2+$0x4050] =	vst v1  }
0xa7: {  	s0 =	sshrl.u32 @!p0 s0, $0x2;
	[tilespmem:s2+$0x4060] =	vst v62  }
0xa8: {  	s28 =	sadd.s32 $0x1, s28;
	s0 =	sadd.s32 @!p0 $0x400, s0;
	[tilespmem:s2+$0x4070] =	vst v63;
	s2 =	simm.s32 @!p0 $0x32  }
0xa9: {  	[tilespmem:s30], [sflag:s29] =	stream.indirect.gather @!p0 [hbm4b:s1+s2], $0x80, s0, s2, $0xb8;
	[tilespmem:$0x16000] =	vst v63  }
0xaa: {  	p0 =	sne.s32 s28, $0x80  }
.Ltmp1:
0xab: {  	_ = 	snop;
	(pc) =	sbr.rel @p0 .LBB2_2-.Ltmp1, $2  }
0xac: {  	_ =	sdelay $0x2  }
0xad: {  	s26 =	sadd.s32 $0x1, s26  }
0xae: {  	s25 =	sadd.s32 $0x1, s25  }
0xaf: {  	p0 =	sne.s32 s25, s6  }
.Ltmp2:
0xb0: {  	_ = 	snop;
	(pc) =	sbr.rel @p0 .LBB2_1-.Ltmp2, $4  }
0xb1: {  	[hbm4b:s5+s3] =	stream.linear.scatter [tilespmem:s24], [sflag:$0x9], $0x4000, $0x38;
	[tilespmem:$0x16000] =	vst v63  }
0xb2: {  	_ =	swait.ge [sflag:s7], $0x4000  }
0xb3: {  	[sflag:s7] =	ssyncset.done $0x0  }
0xb4: {  	[sflag:s7] =	ssyncadd.s32 $0xFFFFC000  }
0xb5: {  	_ =	sfence.sel $0x180000  }
0xb6: {  	[bflag:$0x0] =	sbarrier.arrive $0xFFFF  }
0xb7: {  	_ =	strace $0x90000047  }
0xb8: {  	s0 =	stileid.u32;
	[bflag:$0x2] =	sbarrier.arrive $0xFFFF  }
0xb9: {  	p0 =	sne.s32 s0, $0x0;
	s0 =	rddreg [dreg:$0x3]  }
0xba: {  	s0 =	sadd.s32 @!p0 $0x100000, s0  }
0xbb: {  	[sflag:s0] =	ssyncadd.tile.s32 @!p0 $0x1;
	_ =	shalt  }
.Lfunc_end2:
_tile_overlayer_lowered:
.L_overlay_start_2:
0xbc: {  	(tag) =	ssettag $0x2  }
0xbd: {  	s0 =	rddreg [dreg:$0x0];
	s2 =	stileid.u32  }
0xbe: {  	s1 =	rddreg [dreg:$0x1];
	p0 =	sne.s32 s2, $0x0  }
0xbf: {  	s3 =	rddreg [dreg:$0x2];
	[bflag:$0x3] =	sbarrier.arrive $0xFFFF;
	s2 =	simm.s32 @!p0 $0x1C09  }
0xc0: {  	[timem:s3], [sflag:s2] =	dma.local @!p0 [hbm:s0], s1  }
0xc1: {  	s0 =	simm.s32 @!p0 $0x9  }
0xc2: {  	_ =	swait.ge @!p0 [sflag:s0], s1  }
0xc3: {  	s1 =	ssub.s32 @!p0 $0x0, s1;
	[sflag:s0] =	ssyncset.done @!p0 $0x0  }
0xc4: {  	[sflag:s0] =	ssyncadd.s32 @!p0 s1  }
0xc5: {  	[bflag:$0x3] =	sbarrier.arrive $0xFFFF  }
0xc6: {  	_ =	shalt  }

</sc_bundles>
